<compile_context>
chip_gen: v7x
topology: tpu7x:2x2x1
jax: 0.10.2.dev20260603
libtpu: 0.0.44.dev20260713+nightly
codegen_flags: <defaults>
</compile_context>

<pallas_src>
import functools
import jax
import jax.numpy as jnp
from jax import lax
from jax.experimental import pallas as pl
from jax.experimental.pallas import tpu as pltpu
from jax.experimental.pallas import tpu_sc as plsc

N = 10000
NP = 10240
D = 128
NC = 2
NS = 16
NW = NC * NS
RPT = NP // NS


def _mesh():
    return plsc.VectorSubcoreMesh(core_axis_name="c", subcore_axis_name="s")


def _deg_partials(dst16, zeros80, iota80):
    EPW = dst16.shape[1]

    @functools.partial(
        pl.kernel,
        mesh=_mesh(),
        out_type=jax.ShapeDtypeStruct((NC, NP // D, D), jnp.float32),
        scratch_types=[
            pltpu.VMEM((EPW, 16), jnp.int32),
            pltpu.VMEM((NP // D, D), jnp.float32),
            pltpu.VMEM((1, NP // D), jnp.int32),
            pltpu.VMEM_SHARED((NP // D, D), jnp.float32),
        ],
        compiler_params=pltpu.CompilerParams(needs_layout_passes=False),
    )
    def k(dst_hbm, z_hbm, id_hbm, out_hbm, dst_v, hist, id_v, acc):
        cid = lax.axis_index("c")
        sid = lax.axis_index("s")
        wid = sid * NC + cid
        pltpu.sync_copy(z_hbm, hist)
        pltpu.sync_copy(id_hbm, id_v)
        pltpu.sync_copy(dst_hbm.at[wid], dst_v)

        @pl.when(sid == 0)
        def _zero_acc():
            pltpu.sync_copy(z_hbm, acc)

        ones = jnp.ones((16,), jnp.float32)

        def body(j, carry):
            idx = dst_v[j]
            plsc.addupdate_scatter(hist, [idx >> 7, idx & 127], ones)
            return carry

        lax.fori_loop(0, EPW, body, 0)
        plsc.subcore_barrier()
        pltpu.sync_copy(hist, acc.at[id_v.at[0]], add=True)
        plsc.subcore_barrier()

        @pl.when(sid < 10)
        def _writeout():
            stripe = pl.ds(sid * 8, 8)
            pltpu.sync_copy(acc.at[stripe], out_hbm.at[cid, stripe])

    return k(dst16, zeros80, iota80)


CB = 80


def _agg_partials(h, src3, dst3, z_rows):
    CH = src3.shape[1]

    @functools.partial(
        pl.kernel,
        mesh=_mesh(),
        out_type=jax.ShapeDtypeStruct((NC, NP, D), jnp.float32),
        scratch_types=[
            pltpu.VMEM((CH, CB), jnp.int32),
            pltpu.VMEM((CH, CB), jnp.int32),
            pltpu.VMEM((CB, D), jnp.float32),
            pltpu.VMEM_SHARED((NP, D), jnp.float32),
        ],
    )
    def k(h_hbm, src_hbm, dst_hbm, z_hbm, out_hbm,
          src_v, dst_v, ra, acc):
        cid = lax.axis_index("c")
        sid = lax.axis_index("s")
        wid = sid * NC + cid
        stripe = pl.ds(sid * RPT, RPT)
        pltpu.sync_copy(z_hbm, acc.at[stripe])
        pltpu.sync_copy(src_hbm.at[wid], src_v)
        pltpu.sync_copy(dst_hbm.at[wid], dst_v)
        plsc.subcore_barrier()

        def body(j, carry):
            pltpu.sync_copy(h_hbm.at[src_v.at[j]], ra)
            pltpu.sync_copy(ra, acc.at[dst_v.at[j]], add=True)
            return carry

        lax.fori_loop(0, CH, body, 0)
        plsc.subcore_barrier()
        pltpu.sync_copy(acc.at[stripe], out_hbm.at[cid, stripe])

    return k(h, src3, dst3, z_rows)


R = 400


def _tc_pre(x, W1, deg_col):

    def body(x_ref, w_ref, d_ref, hp_ref, dinv_ref):
        dinv = jnp.broadcast_to(lax.rsqrt(1.0 + d_ref[...]), (R, D))
        h = jnp.dot(x_ref[...], w_ref[...], preferred_element_type=jnp.float32)
        hp_ref[...] = h * dinv
        dinv_ref[...] = dinv

    return pl.pallas_call(
        body,
        grid=(N // R,),
        in_specs=[
            pl.BlockSpec((R, D), lambda i: (i, 0)),
            pl.BlockSpec((D, D), lambda i: (0, 0)),
            pl.BlockSpec((R, 1), lambda i: (i, 0)),
        ],
        out_specs=[pl.BlockSpec((R, D), lambda i: (i, 0))] * 2,
        out_shape=[jax.ShapeDtypeStruct((N, D), jnp.float32)] * 2,
    )(x, W1, deg_col)


def _tc_mid(aggp, hp, dinv, b1, W2):

    def body(a0, a1, hpr, dv, b, w, out):
        z = dv[...] * (a0[...] + a1[...] + hpr[...]) + b[...]
        r = jnp.maximum(z, 0.0)
        out[...] = jnp.dot(r, w[...], preferred_element_type=jnp.float32) * dv[...]

    return pl.pallas_call(
        body,
        grid=(N // R,),
        in_specs=[
            pl.BlockSpec((R, D), lambda i: (i, 0)),
            pl.BlockSpec((R, D), lambda i: (i, 0)),
            pl.BlockSpec((R, D), lambda i: (i, 0)),
            pl.BlockSpec((R, D), lambda i: (i, 0)),
            pl.BlockSpec((1, D), lambda i: (0, 0)),
            pl.BlockSpec((D, D), lambda i: (0, 0)),
        ],
        out_specs=pl.BlockSpec((R, D), lambda i: (i, 0)),
        out_shape=jax.ShapeDtypeStruct((N, D), jnp.float32),
    )(aggp[0], aggp[1], hp, dinv, b1, W2)


def _tc_fin(aggp, hp, dinv, b2):

    def body(a0, a1, hpr, dv, b, out):
        z = dv[...] * (a0[...] + a1[...] + hpr[...]) + b[...]
        m = jnp.max(z, axis=1, keepdims=True)
        e = jnp.exp(z - m)
        s = jnp.sum(e, axis=1, keepdims=True)
        out[...] = (z - m) - jnp.log(s)

    return pl.pallas_call(
        body,
        grid=(N // R,),
        in_specs=[
            pl.BlockSpec((R, D), lambda i: (i, 0)),
            pl.BlockSpec((R, D), lambda i: (i, 0)),
            pl.BlockSpec((R, D), lambda i: (i, 0)),
            pl.BlockSpec((R, D), lambda i: (i, 0)),
            pl.BlockSpec((1, D), lambda i: (0, 0)),
        ],
        out_specs=pl.BlockSpec((R, D), lambda i: (i, 0)),
        out_shape=jax.ShapeDtypeStruct((N, D), jnp.float32),
    )(aggp[0], aggp[1], hp, dinv, b2)


def kernel(x, edge_index, W1, b1, W2, b2):
    E = edge_index.shape[1]
    per_w = E // NW
    assert per_w * NW == E
    CH = per_w // CB
    assert CH * CB == per_w

    src3 = edge_index[0].reshape(NW, CH, CB)
    dst3 = edge_index[1].reshape(NW, CH, CB)

    dst16 = edge_index[1].reshape(NW, per_w // 16, 16)
    zeros80 = jnp.zeros((NP // D, D), jnp.float32)
    iota80 = jnp.arange(NP // D, dtype=jnp.int32).reshape(1, NP // D)
    zeros_rows = jnp.zeros((RPT, D), jnp.float32)

    degp = _deg_partials(dst16, zeros80, iota80)
    deg_col = (degp[0] + degp[1]).reshape(NP, 1)[:N]
    hp1, dinv = _tc_pre(x, W1, deg_col)
    agg1 = _agg_partials(hp1, src3, dst3, zeros_rows)
    hp2 = _tc_mid(agg1, hp1, dinv, b1.reshape(1, D), W2)
    agg2 = _agg_partials(hp2, src3, dst3, zeros_rows)
    return _tc_fin(agg2, hp2, dinv, b2.reshape(1, D))

# --- scband reference (transcript-rebuilt; emitter-appended) ---
"""Pipeline reference for scband-net-14405320311195 (READ-ONLY COPY).

The authoritative reference and input builder live on the scoring server;
editing this copy changes nothing except your own understanding.
"""

import jax, jax.numpy as jnp
import numpy as np

N_NODES = 10000
N_EDGES = 320000
D_IN = 128
D_HID = 128
D_OUT = 128


def gcn_conv(x, edge_index, W, b):
    # PyG-style GCNConv: h = D^{-1/2} (A + I) D^{-1/2} (x @ W) + b
    N = x.shape[0]
    loop = jnp.arange(N, dtype=edge_index.dtype)
    src = jnp.concatenate([edge_index[0], loop])
    dst = jnp.concatenate([edge_index[1], loop])
    h = x @ W
    deg = jnp.zeros((N,), dtype=x.dtype).at[dst].add(1.0)
    dinv = jnp.where(deg > 0, jax.lax.rsqrt(deg), 0.0)
    norm = dinv[src] * dinv[dst]
    msg = h[src] * norm[:, None]
    out = jnp.zeros_like(h).at[dst].add(msg)
    return out + b


def setup_inputs(seed: int = 0) -> dict:
    key = jax.random.key(seed)
    k1, k2, k3, k4, k5, k6 = jax.random.split(key, 6)
    x = jax.random.normal(k1, (N_NODES, D_IN), dtype=jnp.float32)
    edge_index = jax.random.randint(k2, (2, N_EDGES), 0, N_NODES, dtype=jnp.int32)
    W1 = jax.random.normal(k3, (D_IN, D_HID), dtype=jnp.float32) * (1.0 / np.sqrt(D_IN))
    b1 = jnp.zeros((D_HID,), dtype=jnp.float32)
    W2 = jax.random.normal(k4, (D_HID, D_OUT), dtype=jnp.float32) * (1.0 / np.sqrt(D_HID))
    b2 = jnp.zeros((D_OUT,), dtype=jnp.float32)
    return {"x": x, "edge_index": edge_index, "W1": W1, "b1": b1, "W2": W2, "b2": b2}


def reference(x, edge_index, W1, b1, W2, b2):
    # layer 1 + relu (dropout inactive in eval)
    h = gcn_conv(x, edge_index, W1, b1)
    h = jax.nn.relu(h)
    # layer 2
    out = gcn_conv(h, edge_index, W2, b2)
    return jax.nn.log_softmax(out, axis=1)

if __name__ == "__main__":
    import jax
    _d = setup_inputs()
    print(jax.jit(kernel)(*tuple(_d.values())))

</pallas_src>

<mosaic_0001>
#map = affine_map<(d0, d1) -> (0, 0, 0)>
#map1 = affine_map<(d0, d1) -> (0, 0)>
module attributes {stable_mosaic.version = 14 : i64} {
  func.func @k(%arg0: i32, %arg1: i32, %arg2: memref<32x625x16xi32, #tpu.memory_space<hbm>>, %arg3: memref<80x128xf32, #tpu.memory_space<hbm>>, %arg4: memref<1x80xi32, #tpu.memory_space<hbm>>, %arg5: memref<2x80x128xf32, #tpu.memory_space<hbm>>, %arg6: memref<625x16xi32, #tpu.memory_space<vmem>>, %arg7: memref<80x128xf32, #tpu.memory_space<vmem>>, %arg8: memref<1x80xi32, #tpu.memory_space<vmem>>, %arg9: memref<80x128xf32, #tpu.memory_space<vmem_shared>>) attributes {dimension_semantics = [#tpu.dimension_semantics<core_parallel>, #tpu.dimension_semantics<subcore_parallel>], iteration_bounds = array<i64: 2, 16>, scalar_prefetch = 0 : i64, scratch_operands = 4 : i64, tpu.core_type = #tpu.core_type<sc_vector_subcore>, window_params = [{transform_indices = #map}, {transform_indices = #map1}, {transform_indices = #map1}, {transform_indices = #map}]} {
    %mul3A = arith.constant 2 : i32
    %mul3A_0 = arith.muli %arg1, %mul3A : i32
    %add3A = arith.addi %mul3A_0, %arg0 : i32
    "tpu.region"() ({
      %run_scoped3A_14 = tpu.sem_alloc : memref<!tpu.dma_semaphore, #tpu.memory_space<semaphore_mem>>
      tpu.enqueue_dma source(%arg3 : memref<80x128xf32, #tpu.memory_space<hbm>>) target(%arg7 : memref<80x128xf32, #tpu.memory_space<vmem>>) target_semaphore(%run_scoped3A_14 : memref<!tpu.dma_semaphore, #tpu.memory_space<semaphore_mem>>)
      tpu.wait_dma2 semaphore(%run_scoped3A_14 : memref<!tpu.dma_semaphore, #tpu.memory_space<semaphore_mem>>) src(%arg3 : memref<80x128xf32, #tpu.memory_space<hbm>>) dst(%arg7 : memref<80x128xf32, #tpu.memory_space<vmem>>)
      tpu.yield
    }) : () -> ()
    "tpu.region"() ({
      %run_scoped3A_14 = tpu.sem_alloc : memref<!tpu.dma_semaphore, #tpu.memory_space<semaphore_mem>>
      tpu.enqueue_dma source(%arg4 : memref<1x80xi32, #tpu.memory_space<hbm>>) target(%arg8 : memref<1x80xi32, #tpu.memory_space<vmem>>) target_semaphore(%run_scoped3A_14 : memref<!tpu.dma_semaphore, #tpu.memory_space<semaphore_mem>>)
      tpu.wait_dma2 semaphore(%run_scoped3A_14 : memref<!tpu.dma_semaphore, #tpu.memory_space<semaphore_mem>>) src(%arg4 : memref<1x80xi32, #tpu.memory_space<hbm>>) dst(%arg8 : memref<1x80xi32, #tpu.memory_space<vmem>>)
      tpu.yield
    }) : () -> ()
    "tpu.region"() ({
      %run_scoped3A_14 = tpu.sem_alloc : memref<!tpu.dma_semaphore, #tpu.memory_space<semaphore_mem>>
      %dma_start3A = arith.constant 0 : i32
      %dma_start3A_15 = arith.constant 0 : i32
      %dma_start3A_16 = tpu.memref_slice %arg2[%add3A, %dma_start3A, %dma_start3A_15] : memref<32x625x16xi32, #tpu.memory_space<hbm>> -> memref<1x625x16xi32, #tpu.memory_space<hbm>>
      %dma_start3A_17 = tpu.memref_squeeze %dma_start3A_16 : memref<1x625x16xi32, #tpu.memory_space<hbm>> -> memref<625x16xi32, #tpu.memory_space<hbm>>
      %dma_start3A_18 = arith.constant 0 : i32
      %dma_start3A_19 = arith.constant 0 : i32
      %dma_start3A_20 = tpu.memref_slice %arg2[%add3A, %dma_start3A_18, %dma_start3A_19] : memref<32x625x16xi32, #tpu.memory_space<hbm>> -> memref<1x625x16xi32, #tpu.memory_space<hbm>>
      %dma_start3A_21 = tpu.memref_squeeze %dma_start3A_20 : memref<1x625x16xi32, #tpu.memory_space<hbm>> -> memref<625x16xi32, #tpu.memory_space<hbm>>
      tpu.enqueue_dma source(%dma_start3A_21 : memref<625x16xi32, #tpu.memory_space<hbm>>) target(%arg6 : memref<625x16xi32, #tpu.memory_space<vmem>>) target_semaphore(%run_scoped3A_14 : memref<!tpu.dma_semaphore, #tpu.memory_space<semaphore_mem>>)
      %dma_wait3A = arith.constant 0 : i32
      %dma_wait3A_22 = arith.constant 0 : i32
      %dma_wait3A_23 = tpu.memref_slice %arg2[%add3A, %dma_wait3A, %dma_wait3A_22] : memref<32x625x16xi32, #tpu.memory_space<hbm>> -> memref<1x625x16xi32, #tpu.memory_space<hbm>>
      %dma_wait3A_24 = tpu.memref_squeeze %dma_wait3A_23 : memref<1x625x16xi32, #tpu.memory_space<hbm>> -> memref<625x16xi32, #tpu.memory_space<hbm>>
      %dma_wait3A_25 = arith.constant 0 : i32
      %dma_wait3A_26 = arith.constant 0 : i32
      %dma_wait3A_27 = tpu.memref_slice %arg2[%add3A, %dma_wait3A_25, %dma_wait3A_26] : memref<32x625x16xi32, #tpu.memory_space<hbm>> -> memref<1x625x16xi32, #tpu.memory_space<hbm>>
      %dma_wait3A_28 = tpu.memref_squeeze %dma_wait3A_27 : memref<1x625x16xi32, #tpu.memory_space<hbm>> -> memref<625x16xi32, #tpu.memory_space<hbm>>
      tpu.wait_dma2 semaphore(%run_scoped3A_14 : memref<!tpu.dma_semaphore, #tpu.memory_space<semaphore_mem>>) src(%dma_wait3A_28 : memref<625x16xi32, #tpu.memory_space<hbm>>) dst(%arg6 : memref<625x16xi32, #tpu.memory_space<vmem>>)
      tpu.yield
    }) : () -> ()
    %eq3A = arith.constant 0 : i32
    %eq3A_1 = arith.cmpi eq, %arg1, %eq3A : i32
    %convert_element_type3A = arith.extui %eq3A_1 : i1 to i32
    %cond3A = arith.constant 0 : i32
    %cond3A_2 = arith.cmpi ne, %convert_element_type3A, %cond3A : i32
    scf.if %cond3A_2 {
      "tpu.region"() ({
        %run_scoped3A_14 = tpu.sem_alloc : memref<!tpu.dma_semaphore, #tpu.memory_space<semaphore_mem>>
        tpu.enqueue_dma source(%arg3 : memref<80x128xf32, #tpu.memory_space<hbm>>) target(%arg9 : memref<80x128xf32, #tpu.memory_space<vmem_shared>>) target_semaphore(%run_scoped3A_14 : memref<!tpu.dma_semaphore, #tpu.memory_space<semaphore_mem>>)
        tpu.wait_dma2 semaphore(%run_scoped3A_14 : memref<!tpu.dma_semaphore, #tpu.memory_space<semaphore_mem>>) src(%arg3 : memref<80x128xf32, #tpu.memory_space<hbm>>) dst(%arg9 : memref<80x128xf32, #tpu.memory_space<vmem_shared>>)
        tpu.yield
      }) : () -> ()
    } else {
    }
    %broadcast_in_dim3A = arith.constant 1.000000e+00 : f32
    %broadcast_in_dim3A_3 = vector.broadcast %broadcast_in_dim3A : f32 to vector<16xf32>
    %scan3A = arith.constant 0 : i32
    %scan3A_4 = arith.constant 0 : i32
    %scan3A_5 = arith.constant 625 : i32
    %scan3A_6 = arith.addi %scan3A_4, %scan3A_5 : i32
    %scan3A_7 = arith.constant 1 : i32
    scf.for %scan3A_14 = %scan3A_4 to %scan3A_6 step %scan3A_7  : i32 {
      %get3A = arith.index_cast %scan3A_14 : i32 to index
      %get3A_15 = arith.constant 0 : index
      %get3A_16 = tpu.vector_load %arg6[%get3A, %get3A_15] {strides = array<i32>} : memref<625x16xi32, #tpu.memory_space<vmem>>, vector<16xi32>,
      %shift_right_arithmetic3A = arith.constant 7 : i32
      %shift_right_arithmetic3A_17 = vector.broadcast %shift_right_arithmetic3A : i32 to vector<16xi32>
      %shift_right_arithmetic3A_18 = arith.shrsi %get3A_16, %shift_right_arithmetic3A_17 : vector<16xi32>
      %and3A = arith.constant 127 : i32
      %and3A_19 = vector.broadcast %and3A : i32 to vector<16xi32>
      %and3A_20 = arith.andi %get3A_16, %and3A_19 : vector<16xi32>
      tpu.vector_store_idx %arg7[%shift_right_arithmetic3A_18, %and3A_20], %broadcast_in_dim3A_3 {add = true} : memref<80x128xf32, #tpu.memory_space<vmem>>[vector<16xi32>, vector<16xi32>], vector<16xf32>,
    }
    %scan3A_8 = arith.constant 625 : i32
    %barrier3A = arith.constant 0 : index
    tpu.barrier barrier_id(%barrier3A)
    %run_scoped3A = arith.constant 0 : i32
    "tpu.region"() ({
      %run_scoped3A_14 = tpu.sem_alloc : memref<!tpu.dma_semaphore, #tpu.memory_space<semaphore_mem>>
      %dma_start3A = arith.constant 0 : i32
      %dma_start3A_15 = tpu.memref_slice %arg8[%run_scoped3A, %dma_start3A] : memref<1x80xi32, #tpu.memory_space<vmem>> -> memref<1x80xi32, #tpu.memory_space<vmem>>
      %dma_start3A_16 = tpu.memref_squeeze %dma_start3A_15 : memref<1x80xi32, #tpu.memory_space<vmem>> -> memref<80xi32, #tpu.memory_space<vmem>>
      %dma_start3A_17 = arith.constant 0 : i32
      %dma_start3A_18 = arith.constant 0 : i32
      %dma_start3A_19 = tpu.memref_slice %arg9[%dma_start3A_17, %dma_start3A_18] : memref<80x128xf32, #tpu.memory_space<vmem_shared>> -> memref<80x128xf32, #tpu.memory_space<vmem_shared>>
      tpu.enqueue_indirect_dma source(%arg7 : memref<80x128xf32, #tpu.memory_space<vmem>>) target(%dma_start3A_19 : memref<80x128xf32, #tpu.memory_space<vmem_shared>>) offsets(%dma_start3A_16 : memref<80xi32, #tpu.memory_space<vmem>>) semaphore(%run_scoped3A_14 : memref<!tpu.dma_semaphore, #tpu.memory_space<semaphore_mem>>) {add = true}
      %dma_wait3A = arith.constant 0 : i32
      %dma_wait3A_20 = tpu.memref_slice %arg8[%run_scoped3A, %dma_wait3A] : memref<1x80xi32, #tpu.memory_space<vmem>> -> memref<1x80xi32, #tpu.memory_space<vmem>>
      %dma_wait3A_21 = tpu.memref_squeeze %dma_wait3A_20 : memref<1x80xi32, #tpu.memory_space<vmem>> -> memref<80xi32, #tpu.memory_space<vmem>>
      %dma_wait3A_22 = arith.constant 0 : i32
      %dma_wait3A_23 = arith.constant 0 : i32
      %dma_wait3A_24 = tpu.memref_slice %arg9[%dma_wait3A_22, %dma_wait3A_23] : memref<80x128xf32, #tpu.memory_space<vmem_shared>> -> memref<80x128xf32, #tpu.memory_space<vmem_shared>>
      tpu.wait_indirect_dma semaphore(%run_scoped3A_14 : memref<!tpu.dma_semaphore, #tpu.memory_space<semaphore_mem>>) src(%arg7 : memref<80x128xf32, #tpu.memory_space<vmem>>) dst(%dma_wait3A_24 : memref<80x128xf32, #tpu.memory_space<vmem_shared>>)
      tpu.yield
    }) : () -> ()
    %barrier3A_9 = arith.constant 0 : index
    tpu.barrier barrier_id(%barrier3A_9)
    %lt3A = arith.constant 10 : i32
    %lt3A_10 = arith.cmpi slt, %arg1, %lt3A : i32
    %convert_element_type3A_11 = arith.extui %lt3A_10 : i1 to i32
    %cond3A_12 = arith.constant 0 : i32
    %cond3A_13 = arith.cmpi ne, %convert_element_type3A_11, %cond3A_12 : i32
    scf.if %cond3A_13 {
      %mul3A_14 = arith.constant 8 : i32
      %mul3A_15 = arith.muli %arg1, %mul3A_14 : i32
      "tpu.region"() ({
        %run_scoped3A_16 = tpu.sem_alloc : memref<!tpu.dma_semaphore, #tpu.memory_space<semaphore_mem>>
        %dma_start3A = arith.constant 0 : i32
        %dma_start3A_17 = tpu.memref_slice %arg5[%arg0, %mul3A_15, %dma_start3A] : memref<2x80x128xf32, #tpu.memory_space<hbm>> -> memref<1x8x128xf32, #tpu.memory_space<hbm>>
        %dma_start3A_18 = tpu.memref_squeeze %dma_start3A_17 : memref<1x8x128xf32, #tpu.memory_space<hbm>> -> memref<8x128xf32, #tpu.memory_space<hbm>>
        %dma_start3A_19 = arith.constant 0 : i32
        %dma_start3A_20 = tpu.memref_slice %arg9[%mul3A_15, %dma_start3A_19] : memref<80x128xf32, #tpu.memory_space<vmem_shared>> -> memref<8x128xf32, #tpu.memory_space<vmem_shared>>
        tpu.enqueue_dma source(%dma_start3A_20 : memref<8x128xf32, #tpu.memory_space<vmem_shared>>) target(%dma_start3A_18 : memref<8x128xf32, #tpu.memory_space<hbm>>) target_semaphore(%run_scoped3A_16 : memref<!tpu.dma_semaphore, #tpu.memory_space<semaphore_mem>>)
        %dma_wait3A = arith.constant 0 : i32
        %dma_wait3A_21 = tpu.memref_slice %arg5[%arg0, %mul3A_15, %dma_wait3A] : memref<2x80x128xf32, #tpu.memory_space<hbm>> -> memref<1x8x128xf32, #tpu.memory_space<hbm>>
        %dma_wait3A_22 = tpu.memref_squeeze %dma_wait3A_21 : memref<1x8x128xf32, #tpu.memory_space<hbm>> -> memref<8x128xf32, #tpu.memory_space<hbm>>
        %dma_wait3A_23 = arith.constant 0 : i32
        %dma_wait3A_24 = tpu.memref_slice %arg9[%mul3A_15, %dma_wait3A_23] : memref<80x128xf32, #tpu.memory_space<vmem_shared>> -> memref<8x128xf32, #tpu.memory_space<vmem_shared>>
        tpu.wait_dma2 semaphore(%run_scoped3A_16 : memref<!tpu.dma_semaphore, #tpu.memory_space<semaphore_mem>>) src(%dma_wait3A_24 : memref<8x128xf32, #tpu.memory_space<vmem_shared>>) dst(%dma_wait3A_22 : memref<8x128xf32, #tpu.memory_space<hbm>>)
        tpu.yield
      }) : () -> ()
    } else {
    }
    return
  }
}

#map = affine_map<(d0, d1) -> (0, 0)>
#map1 = affine_map<(d0, d1) -> (0, 0, 0)>
module attributes {stable_mosaic.version = 14 : i64} {
  func.func @k(%arg0: i32, %arg1: i32, %arg2: memref<10000x128xf32, #tpu.memory_space<hbm>>, %arg3: memref<32x125x80xi32, #tpu.memory_space<hbm>>, %arg4: memref<32x125x80xi32, #tpu.memory_space<hbm>>, %arg5: memref<640x128xf32, #tpu.memory_space<hbm>>, %arg6: memref<2x10240x128xf32, #tpu.memory_space<hbm>>, %arg7: memref<125x80xi32, #tpu.memory_space<vmem>>, %arg8: memref<125x80xi32, #tpu.memory_space<vmem>>, %arg9: memref<80x128xf32, #tpu.memory_space<vmem>>, %arg10: memref<10240x128xf32, #tpu.memory_space<vmem_shared>>) attributes {dimension_semantics = [#tpu.dimension_semantics<core_parallel>, #tpu.dimension_semantics<subcore_parallel>], iteration_bounds = array<i64: 2, 16>, scalar_prefetch = 0 : i64, scratch_operands = 4 : i64, tpu.core_type = #tpu.core_type<sc_vector_subcore>, window_params = [{transform_indices = #map}, {transform_indices = #map1}, {transform_indices = #map1}, {transform_indices = #map}, {transform_indices = #map1}]} {
    %mul3A = arith.constant 2 : i32
    %mul3A_0 = arith.muli %arg1, %mul3A : i32
    %add3A = arith.addi %mul3A_0, %arg0 : i32
    %mul3A_1 = arith.constant 640 : i32
    %mul3A_2 = arith.muli %arg1, %mul3A_1 : i32
    "tpu.region"() ({
      %run_scoped3A = tpu.sem_alloc : memref<!tpu.dma_semaphore, #tpu.memory_space<semaphore_mem>>
      %dma_start3A = arith.constant 0 : i32
      %dma_start3A_9 = tpu.memref_slice %arg10[%mul3A_2, %dma_start3A] : memref<10240x128xf32, #tpu.memory_space<vmem_shared>> -> memref<640x128xf32, #tpu.memory_space<vmem_shared>>
      tpu.enqueue_dma source(%arg5 : memref<640x128xf32, #tpu.memory_space<hbm>>) target(%dma_start3A_9 : memref<640x128xf32, #tpu.memory_space<vmem_shared>>) target_semaphore(%run_scoped3A : memref<!tpu.dma_semaphore, #tpu.memory_space<semaphore_mem>>)
      %dma_wait3A = arith.constant 0 : i32
      %dma_wait3A_10 = tpu.memref_slice %arg10[%mul3A_2, %dma_wait3A] : memref<10240x128xf32, #tpu.memory_space<vmem_shared>> -> memref<640x128xf32, #tpu.memory_space<vmem_shared>>
      tpu.wait_dma2 semaphore(%run_scoped3A : memref<!tpu.dma_semaphore, #tpu.memory_space<semaphore_mem>>) src(%arg5 : memref<640x128xf32, #tpu.memory_space<hbm>>) dst(%dma_wait3A_10 : memref<640x128xf32, #tpu.memory_space<vmem_shared>>)
      tpu.yield
    }) : () -> ()
    "tpu.region"() ({
      %run_scoped3A = tpu.sem_alloc : memref<!tpu.dma_semaphore, #tpu.memory_space<semaphore_mem>>
      %dma_start3A = arith.constant 0 : i32
      %dma_start3A_9 = arith.constant 0 : i32
      %dma_start3A_10 = tpu.memref_slice %arg3[%add3A, %dma_start3A, %dma_start3A_9] : memref<32x125x80xi32, #tpu.memory_space<hbm>> -> memref<1x125x80xi32, #tpu.memory_space<hbm>>
      %dma_start3A_11 = tpu.memref_squeeze %dma_start3A_10 : memref<1x125x80xi32, #tpu.memory_space<hbm>> -> memref<125x80xi32, #tpu.memory_space<hbm>>
      %dma_start3A_12 = arith.constant 0 : i32
      %dma_start3A_13 = arith.constant 0 : i32
      %dma_start3A_14 = tpu.memref_slice %arg3[%add3A, %dma_start3A_12, %dma_start3A_13] : memref<32x125x80xi32, #tpu.memory_space<hbm>> -> memref<1x125x80xi32, #tpu.memory_space<hbm>>
      %dma_start3A_15 = tpu.memref_squeeze %dma_start3A_14 : memref<1x125x80xi32, #tpu.memory_space<hbm>> -> memref<125x80xi32, #tpu.memory_space<hbm>>
      tpu.enqueue_dma source(%dma_start3A_15 : memref<125x80xi32, #tpu.memory_space<hbm>>) target(%arg7 : memref<125x80xi32, #tpu.memory_space<vmem>>) target_semaphore(%run_scoped3A : memref<!tpu.dma_semaphore, #tpu.memory_space<semaphore_mem>>)
      %dma_wait3A = arith.constant 0 : i32
      %dma_wait3A_16 = arith.constant 0 : i32
      %dma_wait3A_17 = tpu.memref_slice %arg3[%add3A, %dma_wait3A, %dma_wait3A_16] : memref<32x125x80xi32, #tpu.memory_space<hbm>> -> memref<1x125x80xi32, #tpu.memory_space<hbm>>
      %dma_wait3A_18 = tpu.memref_squeeze %dma_wait3A_17 : memref<1x125x80xi32, #tpu.memory_space<hbm>> -> memref<125x80xi32, #tpu.memory_space<hbm>>
      %dma_wait3A_19 = arith.constant 0 : i32
      %dma_wait3A_20 = arith.constant 0 : i32
      %dma_wait3A_21 = tpu.memref_slice %arg3[%add3A, %dma_wait3A_19, %dma_wait3A_20] : memref<32x125x80xi32, #tpu.memory_space<hbm>> -> memref<1x125x80xi32, #tpu.memory_space<hbm>>
      %dma_wait3A_22 = tpu.memref_squeeze %dma_wait3A_21 : memref<1x125x80xi32, #tpu.memory_space<hbm>> -> memref<125x80xi32, #tpu.memory_space<hbm>>
      tpu.wait_dma2 semaphore(%run_scoped3A : memref<!tpu.dma_semaphore, #tpu.memory_space<semaphore_mem>>) src(%dma_wait3A_22 : memref<125x80xi32, #tpu.memory_space<hbm>>) dst(%arg7 : memref<125x80xi32, #tpu.memory_space<vmem>>)
      tpu.yield
    }) : () -> ()
    "tpu.region"() ({
      %run_scoped3A = tpu.sem_alloc : memref<!tpu.dma_semaphore, #tpu.memory_space<semaphore_mem>>
      %dma_start3A = arith.constant 0 : i32
      %dma_start3A_9 = arith.constant 0 : i32
      %dma_start3A_10 = tpu.memref_slice %arg4[%add3A, %dma_start3A, %dma_start3A_9] : memref<32x125x80xi32, #tpu.memory_space<hbm>> -> memref<1x125x80xi32, #tpu.memory_space<hbm>>
      %dma_start3A_11 = tpu.memref_squeeze %dma_start3A_10 : memref<1x125x80xi32, #tpu.memory_space<hbm>> -> memref<125x80xi32, #tpu.memory_space<hbm>>
      %dma_start3A_12 = arith.constant 0 : i32
      %dma_start3A_13 = arith.constant 0 : i32
      %dma_start3A_14 = tpu.memref_slice %arg4[%add3A, %dma_start3A_12, %dma_start3A_13] : memref<32x125x80xi32, #tpu.memory_space<hbm>> -> memref<1x125x80xi32, #tpu.memory_space<hbm>>
      %dma_start3A_15 = tpu.memref_squeeze %dma_start3A_14 : memref<1x125x80xi32, #tpu.memory_space<hbm>> -> memref<125x80xi32, #tpu.memory_space<hbm>>
      tpu.enqueue_dma source(%dma_start3A_15 : memref<125x80xi32, #tpu.memory_space<hbm>>) target(%arg8 : memref<125x80xi32, #tpu.memory_space<vmem>>) target_semaphore(%run_scoped3A : memref<!tpu.dma_semaphore, #tpu.memory_space<semaphore_mem>>)
      %dma_wait3A = arith.constant 0 : i32
      %dma_wait3A_16 = arith.constant 0 : i32
      %dma_wait3A_17 = tpu.memref_slice %arg4[%add3A, %dma_wait3A, %dma_wait3A_16] : memref<32x125x80xi32, #tpu.memory_space<hbm>> -> memref<1x125x80xi32, #tpu.memory_space<hbm>>
      %dma_wait3A_18 = tpu.memref_squeeze %dma_wait3A_17 : memref<1x125x80xi32, #tpu.memory_space<hbm>> -> memref<125x80xi32, #tpu.memory_space<hbm>>
      %dma_wait3A_19 = arith.constant 0 : i32
      %dma_wait3A_20 = arith.constant 0 : i32
      %dma_wait3A_21 = tpu.memref_slice %arg4[%add3A, %dma_wait3A_19, %dma_wait3A_20] : memref<32x125x80xi32, #tpu.memory_space<hbm>> -> memref<1x125x80xi32, #tpu.memory_space<hbm>>
      %dma_wait3A_22 = tpu.memref_squeeze %dma_wait3A_21 : memref<1x125x80xi32, #tpu.memory_space<hbm>> -> memref<125x80xi32, #tpu.memory_space<hbm>>
      tpu.wait_dma2 semaphore(%run_scoped3A : memref<!tpu.dma_semaphore, #tpu.memory_space<semaphore_mem>>) src(%dma_wait3A_22 : memref<125x80xi32, #tpu.memory_space<hbm>>) dst(%arg8 : memref<125x80xi32, #tpu.memory_space<vmem>>)
      tpu.yield
    }) : () -> ()
    %barrier3A = arith.constant 0 : index
    tpu.barrier barrier_id(%barrier3A)
    %scan3A = arith.constant 0 : i32
    %scan3A_3 = arith.constant 0 : i32
    %scan3A_4 = arith.constant 125 : i32
    %scan3A_5 = arith.addi %scan3A_3, %scan3A_4 : i32
    %scan3A_6 = arith.constant 1 : i32
    scf.for %scan3A_9 = %scan3A_3 to %scan3A_5 step %scan3A_6  : i32 {
      "tpu.region"() ({
        %run_scoped3A = tpu.sem_alloc : memref<!tpu.dma_semaphore, #tpu.memory_space<semaphore_mem>>
        %dma_start3A = arith.constant 0 : i32
        %dma_start3A_10 = tpu.memref_slice %arg7[%scan3A_9, %dma_start3A] : memref<125x80xi32, #tpu.memory_space<vmem>> -> memref<1x80xi32, #tpu.memory_space<vmem>>
        %dma_start3A_11 = tpu.memref_squeeze %dma_start3A_10 : memref<1x80xi32, #tpu.memory_space<vmem>> -> memref<80xi32, #tpu.memory_space<vmem>>
        %dma_start3A_12 = arith.constant 0 : i32
        %dma_start3A_13 = arith.constant 0 : i32
        %dma_start3A_14 = tpu.memref_slice %arg2[%dma_start3A_12, %dma_start3A_13] : memref<10000x128xf32, #tpu.memory_space<hbm>> -> memref<10000x128xf32, #tpu.memory_space<hbm>>
        tpu.enqueue_indirect_dma source(%dma_start3A_14 : memref<10000x128xf32, #tpu.memory_space<hbm>>) target(%arg9 : memref<80x128xf32, #tpu.memory_space<vmem>>) offsets(%dma_start3A_11 : memref<80xi32, #tpu.memory_space<vmem>>) semaphore(%run_scoped3A : memref<!tpu.dma_semaphore, #tpu.memory_space<semaphore_mem>>)
        %dma_wait3A = arith.constant 0 : i32
        %dma_wait3A_15 = tpu.memref_slice %arg7[%scan3A_9, %dma_wait3A] : memref<125x80xi32, #tpu.memory_space<vmem>> -> memref<1x80xi32, #tpu.memory_space<vmem>>
        %dma_wait3A_16 = tpu.memref_squeeze %dma_wait3A_15 : memref<1x80xi32, #tpu.memory_space<vmem>> -> memref<80xi32, #tpu.memory_space<vmem>>
        %dma_wait3A_17 = arith.constant 0 : i32
        %dma_wait3A_18 = arith.constant 0 : i32
        %dma_wait3A_19 = tpu.memref_slice %arg2[%dma_wait3A_17, %dma_wait3A_18] : memref<10000x128xf32, #tpu.memory_space<hbm>> -> memref<10000x128xf32, #tpu.memory_space<hbm>>
        tpu.wait_indirect_dma semaphore(%run_scoped3A : memref<!tpu.dma_semaphore, #tpu.memory_space<semaphore_mem>>) src(%dma_wait3A_19 : memref<10000x128xf32, #tpu.memory_space<hbm>>) dst(%arg9 : memref<80x128xf32, #tpu.memory_space<vmem>>)
        tpu.yield
      }) : () -> ()
      "tpu.region"() ({
        %run_scoped3A = tpu.sem_alloc : memref<!tpu.dma_semaphore, #tpu.memory_space<semaphore_mem>>
        %dma_start3A = arith.constant 0 : i32
        %dma_start3A_10 = tpu.memref_slice %arg8[%scan3A_9, %dma_start3A] : memref<125x80xi32, #tpu.memory_space<vmem>> -> memref<1x80xi32, #tpu.memory_space<vmem>>
        %dma_start3A_11 = tpu.memref_squeeze %dma_start3A_10 : memref<1x80xi32, #tpu.memory_space<vmem>> -> memref<80xi32, #tpu.memory_space<vmem>>
        %dma_start3A_12 = arith.constant 0 : i32
        %dma_start3A_13 = arith.constant 0 : i32
        %dma_start3A_14 = tpu.memref_slice %arg10[%dma_start3A_12, %dma_start3A_13] : memref<10240x128xf32, #tpu.memory_space<vmem_shared>> -> memref<10240x128xf32, #tpu.memory_space<vmem_shared>>
        tpu.enqueue_indirect_dma source(%arg9 : memref<80x128xf32, #tpu.memory_space<vmem>>) target(%dma_start3A_14 : memref<10240x128xf32, #tpu.memory_space<vmem_shared>>) offsets(%dma_start3A_11 : memref<80xi32, #tpu.memory_space<vmem>>) semaphore(%run_scoped3A : memref<!tpu.dma_semaphore, #tpu.memory_space<semaphore_mem>>) {add = true}
        %dma_wait3A = arith.constant 0 : i32
        %dma_wait3A_15 = tpu.memref_slice %arg8[%scan3A_9, %dma_wait3A] : memref<125x80xi32, #tpu.memory_space<vmem>> -> memref<1x80xi32, #tpu.memory_space<vmem>>
        %dma_wait3A_16 = tpu.memref_squeeze %dma_wait3A_15 : memref<1x80xi32, #tpu.memory_space<vmem>> -> memref<80xi32, #tpu.memory_space<vmem>>
        %dma_wait3A_17 = arith.constant 0 : i32
        %dma_wait3A_18 = arith.constant 0 : i32
        %dma_wait3A_19 = tpu.memref_slice %arg10[%dma_wait3A_17, %dma_wait3A_18] : memref<10240x128xf32, #tpu.memory_space<vmem_shared>> -> memref<10240x128xf32, #tpu.memory_space<vmem_shared>>
        tpu.wait_indirect_dma semaphore(%run_scoped3A : memref<!tpu.dma_semaphore, #tpu.memory_space<semaphore_mem>>) src(%arg9 : memref<80x128xf32, #tpu.memory_space<vmem>>) dst(%dma_wait3A_19 : memref<10240x128xf32, #tpu.memory_space<vmem_shared>>)
        tpu.yield
      }) : () -> ()
    }
    %scan3A_7 = arith.constant 125 : i32
    %barrier3A_8 = arith.constant 0 : index
    tpu.barrier barrier_id(%barrier3A_8)
    "tpu.region"() ({
      %run_scoped3A = tpu.sem_alloc : memref<!tpu.dma_semaphore, #tpu.memory_space<semaphore_mem>>
      %dma_start3A = arith.constant 0 : i32
      %dma_start3A_9 = tpu.memref_slice %arg6[%arg0, %mul3A_2, %dma_start3A] : memref<2x10240x128xf32, #tpu.memory_space<hbm>> -> memref<1x640x128xf32, #tpu.memory_space<hbm>>
      %dma_start3A_10 = tpu.memref_squeeze %dma_start3A_9 : memref<1x640x128xf32, #tpu.memory_space<hbm>> -> memref<640x128xf32, #tpu.memory_space<hbm>>
      %dma_start3A_11 = arith.constant 0 : i32
      %dma_start3A_12 = tpu.memref_slice %arg10[%mul3A_2, %dma_start3A_11] : memref<10240x128xf32, #tpu.memory_space<vmem_shared>> -> memref<640x128xf32, #tpu.memory_space<vmem_shared>>
      tpu.enqueue_dma source(%dma_start3A_12 : memref<640x128xf32, #tpu.memory_space<vmem_shared>>) target(%dma_start3A_10 : memref<640x128xf32, #tpu.memory_space<hbm>>) target_semaphore(%run_scoped3A : memref<!tpu.dma_semaphore, #tpu.memory_space<semaphore_mem>>)
      %dma_wait3A = arith.constant 0 : i32
      %dma_wait3A_13 = tpu.memref_slice %arg6[%arg0, %mul3A_2, %dma_wait3A] : memref<2x10240x128xf32, #tpu.memory_space<hbm>> -> memref<1x640x128xf32, #tpu.memory_space<hbm>>
      %dma_wait3A_14 = tpu.memref_squeeze %dma_wait3A_13 : memref<1x640x128xf32, #tpu.memory_space<hbm>> -> memref<640x128xf32, #tpu.memory_space<hbm>>
      %dma_wait3A_15 = arith.constant 0 : i32
      %dma_wait3A_16 = tpu.memref_slice %arg10[%mul3A_2, %dma_wait3A_15] : memref<10240x128xf32, #tpu.memory_space<vmem_shared>> -> memref<640x128xf32, #tpu.memory_space<vmem_shared>>
      tpu.wait_dma2 semaphore(%run_scoped3A : memref<!tpu.dma_semaphore, #tpu.memory_space<semaphore_mem>>) src(%dma_wait3A_16 : memref<640x128xf32, #tpu.memory_space<vmem_shared>>) dst(%dma_wait3A_14 : memref<640x128xf32, #tpu.memory_space<hbm>>)
      tpu.yield
    }) : () -> ()
    return
  }
}

#map = affine_map<(d0, d1) -> (0, 0)>
#map1 = affine_map<(d0, d1) -> (0, 0, 0)>
module attributes {stable_mosaic.version = 14 : i64} {
  func.func @k(%arg0: i32, %arg1: i32, %arg2: memref<10000x128xf32, #tpu.memory_space<hbm>>, %arg3: memref<32x125x80xi32, #tpu.memory_space<hbm>>, %arg4: memref<32x125x80xi32, #tpu.memory_space<hbm>>, %arg5: memref<640x128xf32, #tpu.memory_space<hbm>>, %arg6: memref<2x10240x128xf32, #tpu.memory_space<hbm>>, %arg7: memref<125x80xi32, #tpu.memory_space<vmem>>, %arg8: memref<125x80xi32, #tpu.memory_space<vmem>>, %arg9: memref<80x128xf32, #tpu.memory_space<vmem>>, %arg10: memref<10240x128xf32, #tpu.memory_space<vmem_shared>>) attributes {dimension_semantics = [#tpu.dimension_semantics<core_parallel>, #tpu.dimension_semantics<subcore_parallel>], iteration_bounds = array<i64: 2, 16>, scalar_prefetch = 0 : i64, scratch_operands = 4 : i64, tpu.core_type = #tpu.core_type<sc_vector_subcore>, window_params = [{transform_indices = #map}, {transform_indices = #map1}, {transform_indices = #map1}, {transform_indices = #map}, {transform_indices = #map1}]} {
    %mul3A = arith.constant 2 : i32
    %mul3A_0 = arith.muli %arg1, %mul3A : i32
    %add3A = arith.addi %mul3A_0, %arg0 : i32
    %mul3A_1 = arith.constant 640 : i32
    %mul3A_2 = arith.muli %arg1, %mul3A_1 : i32
    "tpu.region"() ({
      %run_scoped3A = tpu.sem_alloc : memref<!tpu.dma_semaphore, #tpu.memory_space<semaphore_mem>>
      %dma_start3A = arith.constant 0 : i32
      %dma_start3A_9 = tpu.memref_slice %arg10[%mul3A_2, %dma_start3A] : memref<10240x128xf32, #tpu.memory_space<vmem_shared>> -> memref<640x128xf32, #tpu.memory_space<vmem_shared>>
      tpu.enqueue_dma source(%arg5 : memref<640x128xf32, #tpu.memory_space<hbm>>) target(%dma_start3A_9 : memref<640x128xf32, #tpu.memory_space<vmem_shared>>) target_semaphore(%run_scoped3A : memref<!tpu.dma_semaphore, #tpu.memory_space<semaphore_mem>>)
      %dma_wait3A = arith.constant 0 : i32
      %dma_wait3A_10 = tpu.memref_slice %arg10[%mul3A_2, %dma_wait3A] : memref<10240x128xf32, #tpu.memory_space<vmem_shared>> -> memref<640x128xf32, #tpu.memory_space<vmem_shared>>
      tpu.wait_dma2 semaphore(%run_scoped3A : memref<!tpu.dma_semaphore, #tpu.memory_space<semaphore_mem>>) src(%arg5 : memref<640x128xf32, #tpu.memory_space<hbm>>) dst(%dma_wait3A_10 : memref<640x128xf32, #tpu.memory_space<vmem_shared>>)
      tpu.yield
    }) : () -> ()
    "tpu.region"() ({
      %run_scoped3A = tpu.sem_alloc : memref<!tpu.dma_semaphore, #tpu.memory_space<semaphore_mem>>
      %dma_start3A = arith.constant 0 : i32
      %dma_start3A_9 = arith.constant 0 : i32
      %dma_start3A_10 = tpu.memref_slice %arg3[%add3A, %dma_start3A, %dma_start3A_9] : memref<32x125x80xi32, #tpu.memory_space<hbm>> -> memref<1x125x80xi32, #tpu.memory_space<hbm>>
      %dma_start3A_11 = tpu.memref_squeeze %dma_start3A_10 : memref<1x125x80xi32, #tpu.memory_space<hbm>> -> memref<125x80xi32, #tpu.memory_space<hbm>>
      %dma_start3A_12 = arith.constant 0 : i32
      %dma_start3A_13 = arith.constant 0 : i32
      %dma_start3A_14 = tpu.memref_slice %arg3[%add3A, %dma_start3A_12, %dma_start3A_13] : memref<32x125x80xi32, #tpu.memory_space<hbm>> -> memref<1x125x80xi32, #tpu.memory_space<hbm>>
      %dma_start3A_15 = tpu.memref_squeeze %dma_start3A_14 : memref<1x125x80xi32, #tpu.memory_space<hbm>> -> memref<125x80xi32, #tpu.memory_space<hbm>>
      tpu.enqueue_dma source(%dma_start3A_15 : memref<125x80xi32, #tpu.memory_space<hbm>>) target(%arg7 : memref<125x80xi32, #tpu.memory_space<vmem>>) target_semaphore(%run_scoped3A : memref<!tpu.dma_semaphore, #tpu.memory_space<semaphore_mem>>)
      %dma_wait3A = arith.constant 0 : i32
      %dma_wait3A_16 = arith.constant 0 : i32
      %dma_wait3A_17 = tpu.memref_slice %arg3[%add3A, %dma_wait3A, %dma_wait3A_16] : memref<32x125x80xi32, #tpu.memory_space<hbm>> -> memref<1x125x80xi32, #tpu.memory_space<hbm>>
      %dma_wait3A_18 = tpu.memref_squeeze %dma_wait3A_17 : memref<1x125x80xi32, #tpu.memory_space<hbm>> -> memref<125x80xi32, #tpu.memory_space<hbm>>
      %dma_wait3A_19 = arith.constant 0 : i32
      %dma_wait3A_20 = arith.constant 0 : i32
      %dma_wait3A_21 = tpu.memref_slice %arg3[%add3A, %dma_wait3A_19, %dma_wait3A_20] : memref<32x125x80xi32, #tpu.memory_space<hbm>> -> memref<1x125x80xi32, #tpu.memory_space<hbm>>
      %dma_wait3A_22 = tpu.memref_squeeze %dma_wait3A_21 : memref<1x125x80xi32, #tpu.memory_space<hbm>> -> memref<125x80xi32, #tpu.memory_space<hbm>>
      tpu.wait_dma2 semaphore(%run_scoped3A : memref<!tpu.dma_semaphore, #tpu.memory_space<semaphore_mem>>) src(%dma_wait3A_22 : memref<125x80xi32, #tpu.memory_space<hbm>>) dst(%arg7 : memref<125x80xi32, #tpu.memory_space<vmem>>)
      tpu.yield
    }) : () -> ()
    "tpu.region"() ({
      %run_scoped3A = tpu.sem_alloc : memref<!tpu.dma_semaphore, #tpu.memory_space<semaphore_mem>>
      %dma_start3A = arith.constant 0 : i32
      %dma_start3A_9 = arith.constant 0 : i32
      %dma_start3A_10 = tpu.memref_slice %arg4[%add3A, %dma_start3A, %dma_start3A_9] : memref<32x125x80xi32, #tpu.memory_space<hbm>> -> memref<1x125x80xi32, #tpu.memory_space<hbm>>
      %dma_start3A_11 = tpu.memref_squeeze %dma_start3A_10 : memref<1x125x80xi32, #tpu.memory_space<hbm>> -> memref<125x80xi32, #tpu.memory_space<hbm>>
      %dma_start3A_12 = arith.constant 0 : i32
      %dma_start3A_13 = arith.constant 0 : i32
      %dma_start3A_14 = tpu.memref_slice %arg4[%add3A, %dma_start3A_12, %dma_start3A_13] : memref<32x125x80xi32, #tpu.memory_space<hbm>> -> memref<1x125x80xi32, #tpu.memory_space<hbm>>
      %dma_start3A_15 = tpu.memref_squeeze %dma_start3A_14 : memref<1x125x80xi32, #tpu.memory_space<hbm>> -> memref<125x80xi32, #tpu.memory_space<hbm>>
      tpu.enqueue_dma source(%dma_start3A_15 : memref<125x80xi32, #tpu.memory_space<hbm>>) target(%arg8 : memref<125x80xi32, #tpu.memory_space<vmem>>) target_semaphore(%run_scoped3A : memref<!tpu.dma_semaphore, #tpu.memory_space<semaphore_mem>>)
      %dma_wait3A = arith.constant 0 : i32
      %dma_wait3A_16 = arith.constant 0 : i32
      %dma_wait3A_17 = tpu.memref_slice %arg4[%add3A, %dma_wait3A, %dma_wait3A_16] : memref<32x125x80xi32, #tpu.memory_space<hbm>> -> memref<1x125x80xi32, #tpu.memory_space<hbm>>
      %dma_wait3A_18 = tpu.memref_squeeze %dma_wait3A_17 : memref<1x125x80xi32, #tpu.memory_space<hbm>> -> memref<125x80xi32, #tpu.memory_space<hbm>>
      %dma_wait3A_19 = arith.constant 0 : i32
      %dma_wait3A_20 = arith.constant 0 : i32
      %dma_wait3A_21 = tpu.memref_slice %arg4[%add3A, %dma_wait3A_19, %dma_wait3A_20] : memref<32x125x80xi32, #tpu.memory_space<hbm>> -> memref<1x125x80xi32, #tpu.memory_space<hbm>>
      %dma_wait3A_22 = tpu.memref_squeeze %dma_wait3A_21 : memref<1x125x80xi32, #tpu.memory_space<hbm>> -> memref<125x80xi32, #tpu.memory_space<hbm>>
      tpu.wait_dma2 semaphore(%run_scoped3A : memref<!tpu.dma_semaphore, #tpu.memory_space<semaphore_mem>>) src(%dma_wait3A_22 : memref<125x80xi32, #tpu.memory_space<hbm>>) dst(%arg8 : memref<125x80xi32, #tpu.memory_space<vmem>>)
      tpu.yield
    }) : () -> ()
    %barrier3A = arith.constant 0 : index
    tpu.barrier barrier_id(%barrier3A)
    %scan3A = arith.constant 0 : i32
    %scan3A_3 = arith.constant 0 : i32
    %scan3A_4 = arith.constant 125 : i32
    %scan3A_5 = arith.addi %scan3A_3, %scan3A_4 : i32
    %scan3A_6 = arith.constant 1 : i32
    scf.for %scan3A_9 = %scan3A_3 to %scan3A_5 step %scan3A_6  : i32 {
      "tpu.region"() ({
        %run_scoped3A = tpu.sem_alloc : memref<!tpu.dma_semaphore, #tpu.memory_space<semaphore_mem>>
        %dma_start3A = arith.constant 0 : i32
        %dma_start3A_10 = tpu.memref_slice %arg7[%scan3A_9, %dma_start3A] : memref<125x80xi32, #tpu.memory_space<vmem>> -> memref<1x80xi32, #tpu.memory_space<vmem>>
        %dma_start3A_11 = tpu.memref_squeeze %dma_start3A_10 : memref<1x80xi32, #tpu.memory_space<vmem>> -> memref<80xi32, #tpu.memory_space<vmem>>
        %dma_start3A_12 = arith.constant 0 : i32
        %dma_start3A_13 = arith.constant 0 : i32
        %dma_start3A_14 = tpu.memref_slice %arg2[%dma_start3A_12, %dma_start3A_13] : memref<10000x128xf32, #tpu.memory_space<hbm>> -> memref<10000x128xf32, #tpu.memory_space<hbm>>
        tpu.enqueue_indirect_dma source(%dma_start3A_14 : memref<10000x128xf32, #tpu.memory_space<hbm>>) target(%arg9 : memref<80x128xf32, #tpu.memory_space<vmem>>) offsets(%dma_start3A_11 : memref<80xi32, #tpu.memory_space<vmem>>) semaphore(%run_scoped3A : memref<!tpu.dma_semaphore, #tpu.memory_space<semaphore_mem>>)
        %dma_wait3A = arith.constant 0 : i32
        %dma_wait3A_15 = tpu.memref_slice %arg7[%scan3A_9, %dma_wait3A] : memref<125x80xi32, #tpu.memory_space<vmem>> -> memref<1x80xi32, #tpu.memory_space<vmem>>
        %dma_wait3A_16 = tpu.memref_squeeze %dma_wait3A_15 : memref<1x80xi32, #tpu.memory_space<vmem>> -> memref<80xi32, #tpu.memory_space<vmem>>
        %dma_wait3A_17 = arith.constant 0 : i32
        %dma_wait3A_18 = arith.constant 0 : i32
        %dma_wait3A_19 = tpu.memref_slice %arg2[%dma_wait3A_17, %dma_wait3A_18] : memref<10000x128xf32, #tpu.memory_space<hbm>> -> memref<10000x128xf32, #tpu.memory_space<hbm>>
        tpu.wait_indirect_dma semaphore(%run_scoped3A : memref<!tpu.dma_semaphore, #tpu.memory_space<semaphore_mem>>) src(%dma_wait3A_19 : memref<10000x128xf32, #tpu.memory_space<hbm>>) dst(%arg9 : memref<80x128xf32, #tpu.memory_space<vmem>>)
        tpu.yield
      }) : () -> ()
      "tpu.region"() ({
        %run_scoped3A = tpu.sem_alloc : memref<!tpu.dma_semaphore, #tpu.memory_space<semaphore_mem>>
        %dma_start3A = arith.constant 0 : i32
        %dma_start3A_10 = tpu.memref_slice %arg8[%scan3A_9, %dma_start3A] : memref<125x80xi32, #tpu.memory_space<vmem>> -> memref<1x80xi32, #tpu.memory_space<vmem>>
        %dma_start3A_11 = tpu.memref_squeeze %dma_start3A_10 : memref<1x80xi32, #tpu.memory_space<vmem>> -> memref<80xi32, #tpu.memory_space<vmem>>
        %dma_start3A_12 = arith.constant 0 : i32
        %dma_start3A_13 = arith.constant 0 : i32
        %dma_start3A_14 = tpu.memref_slice %arg10[%dma_start3A_12, %dma_start3A_13] : memref<10240x128xf32, #tpu.memory_space<vmem_shared>> -> memref<10240x128xf32, #tpu.memory_space<vmem_shared>>
        tpu.enqueue_indirect_dma source(%arg9 : memref<80x128xf32, #tpu.memory_space<vmem>>) target(%dma_start3A_14 : memref<10240x128xf32, #tpu.memory_space<vmem_shared>>) offsets(%dma_start3A_11 : memref<80xi32, #tpu.memory_space<vmem>>) semaphore(%run_scoped3A : memref<!tpu.dma_semaphore, #tpu.memory_space<semaphore_mem>>) {add = true}
        %dma_wait3A = arith.constant 0 : i32
        %dma_wait3A_15 = tpu.memref_slice %arg8[%scan3A_9, %dma_wait3A] : memref<125x80xi32, #tpu.memory_space<vmem>> -> memref<1x80xi32, #tpu.memory_space<vmem>>
        %dma_wait3A_16 = tpu.memref_squeeze %dma_wait3A_15 : memref<1x80xi32, #tpu.memory_space<vmem>> -> memref<80xi32, #tpu.memory_space<vmem>>
        %dma_wait3A_17 = arith.constant 0 : i32
        %dma_wait3A_18 = arith.constant 0 : i32
        %dma_wait3A_19 = tpu.memref_slice %arg10[%dma_wait3A_17, %dma_wait3A_18] : memref<10240x128xf32, #tpu.memory_space<vmem_shared>> -> memref<10240x128xf32, #tpu.memory_space<vmem_shared>>
        tpu.wait_indirect_dma semaphore(%run_scoped3A : memref<!tpu.dma_semaphore, #tpu.memory_space<semaphore_mem>>) src(%arg9 : memref<80x128xf32, #tpu.memory_space<vmem>>) dst(%dma_wait3A_19 : memref<10240x128xf32, #tpu.memory_space<vmem_shared>>)
        tpu.yield
      }) : () -> ()
    }
    %scan3A_7 = arith.constant 125 : i32
    %barrier3A_8 = arith.constant 0 : index
    tpu.barrier barrier_id(%barrier3A_8)
    "tpu.region"() ({
      %run_scoped3A = tpu.sem_alloc : memref<!tpu.dma_semaphore, #tpu.memory_space<semaphore_mem>>
      %dma_start3A = arith.constant 0 : i32
      %dma_start3A_9 = tpu.memref_slice %arg6[%arg0, %mul3A_2, %dma_start3A] : memref<2x10240x128xf32, #tpu.memory_space<hbm>> -> memref<1x640x128xf32, #tpu.memory_space<hbm>>
      %dma_start3A_10 = tpu.memref_squeeze %dma_start3A_9 : memref<1x640x128xf32, #tpu.memory_space<hbm>> -> memref<640x128xf32, #tpu.memory_space<hbm>>
      %dma_start3A_11 = arith.constant 0 : i32
      %dma_start3A_12 = tpu.memref_slice %arg10[%mul3A_2, %dma_start3A_11] : memref<10240x128xf32, #tpu.memory_space<vmem_shared>> -> memref<640x128xf32, #tpu.memory_space<vmem_shared>>
      tpu.enqueue_dma source(%dma_start3A_12 : memref<640x128xf32, #tpu.memory_space<vmem_shared>>) target(%dma_start3A_10 : memref<640x128xf32, #tpu.memory_space<hbm>>) target_semaphore(%run_scoped3A : memref<!tpu.dma_semaphore, #tpu.memory_space<semaphore_mem>>)
      %dma_wait3A = arith.constant 0 : i32
      %dma_wait3A_13 = tpu.memref_slice %arg6[%arg0, %mul3A_2, %dma_wait3A] : memref<2x10240x128xf32, #tpu.memory_space<hbm>> -> memref<1x640x128xf32, #tpu.memory_space<hbm>>
      %dma_wait3A_14 = tpu.memref_squeeze %dma_wait3A_13 : memref<1x640x128xf32, #tpu.memory_space<hbm>> -> memref<640x128xf32, #tpu.memory_space<hbm>>
      %dma_wait3A_15 = arith.constant 0 : i32
      %dma_wait3A_16 = tpu.memref_slice %arg10[%mul3A_2, %dma_wait3A_15] : memref<10240x128xf32, #tpu.memory_space<vmem_shared>> -> memref<640x128xf32, #tpu.memory_space<vmem_shared>>
      tpu.wait_dma2 semaphore(%run_scoped3A : memref<!tpu.dma_semaphore, #tpu.memory_space<semaphore_mem>>) src(%dma_wait3A_16 : memref<640x128xf32, #tpu.memory_space<vmem_shared>>) dst(%dma_wait3A_14 : memref<640x128xf32, #tpu.memory_space<hbm>>)
      tpu.yield
    }) : () -> ()
    return
  }
}

module attributes {stable_mosaic.version = 14 : i64} {
  func.func @body(%arg0: i32, %arg1: memref<400x128xf32, #tpu.memory_space<vmem>>, %arg2: memref<128x128xf32, #tpu.memory_space<vmem>>, %arg3: memref<400x1xf32, #tpu.memory_space<vmem>>, %arg4: memref<400x128xf32, #tpu.memory_space<vmem>>, %arg5: memref<400x128xf32, #tpu.memory_space<vmem>>) attributes {dimension_semantics = [#tpu.dimension_semantics<arbitrary>], iteration_bounds = array<i64: 25>, scalar_prefetch = 0 : i64, scratch_operands = 0 : i64, tpu.core_type = #tpu.core_type<tc>, window_params = [{transform_indices = @transform_0, window_bounds = array<i64: 400, 128>}, {pipeline_mode = #tpu.pipeline_mode<synchronous>, transform_indices = @transform_1, window_bounds = array<i64: 128, 128>}, {transform_indices = @transform_2, window_bounds = array<i64: 400, 1>}, {transform_indices = @transform_3, window_bounds = array<i64: 400, 128>}, {transform_indices = @transform_4, window_bounds = array<i64: 400, 128>}]} {
    %get3A = arith.constant 0 : index
    %get3A_0 = arith.constant 0 : index
    %get3A_1 = vector.load %arg3[%get3A, %get3A_0] : memref<400x1xf32, #tpu.memory_space<vmem>>, vector<400x1xf32>
    %add3A = arith.constant 1.000000e+00 : f32
    %add3A_2 = vector.broadcast %add3A : f32 to vector<400x1xf32>
    %add3A_3 = arith.addf %add3A_2, %get3A_1 : vector<400x1xf32>
    %rsqrt3A = math.rsqrt %add3A_3 : vector<400x1xf32>
    %broadcast_in_dim3A = vector.shape_cast %rsqrt3A : vector<400x1xf32> to vector<400x1xf32>
    %broadcast_in_dim3A_4 = vector.broadcast %broadcast_in_dim3A : vector<400x1xf32> to vector<400x128xf32>
    %get3A_5 = arith.constant 0 : index
    %get3A_6 = arith.constant 0 : index
    %get3A_7 = vector.load %arg1[%get3A_5, %get3A_6] : memref<400x128xf32, #tpu.memory_space<vmem>>, vector<400x128xf32>
    %get3A_8 = arith.constant 0 : index
    %get3A_9 = arith.constant 0 : index
    %get3A_10 = vector.load %arg2[%get3A_8, %get3A_9] : memref<128x128xf32, #tpu.memory_space<vmem>>, vector<128x128xf32>
    %dot_general3A = arith.constant dense<0.000000e+00> : vector<400x128xf32>
    %dot_general3A_11 = tpu.matmul %get3A_7, %get3A_10, %dot_general3A {dimension_numbers = #tpu.dot_dimension_numbers<[1], [0], [0], [1], [0, 0, 1, 1], [], []>, transpose_lhs_hint = false} : vector<400x128xf32>, vector<128x128xf32>, vector<400x128xf32> -> vector<400x128xf32>
    %mul3A = arith.mulf %dot_general3A_11, %broadcast_in_dim3A_4 : vector<400x128xf32>
    %swap3A = arith.constant 0 : index
    %swap3A_12 = arith.constant 0 : index
    %swap3A_13 = vector.load %arg4[%swap3A, %swap3A_12] : memref<400x128xf32, #tpu.memory_space<vmem>>, vector<400x128xf32>
    tpu.vector_store %arg4[%swap3A, %swap3A_12], %mul3A {strides = array<i32>} : memref<400x128xf32, #tpu.memory_space<vmem>>, vector<400x128xf32>,
    %swap3A_14 = arith.constant 0 : index
    %swap3A_15 = arith.constant 0 : index
    %swap3A_16 = vector.load %arg5[%swap3A_14, %swap3A_15] : memref<400x128xf32, #tpu.memory_space<vmem>>, vector<400x128xf32>
    tpu.vector_store %arg5[%swap3A_14, %swap3A_15], %broadcast_in_dim3A_4 {strides = array<i32>} : memref<400x128xf32, #tpu.memory_space<vmem>>, vector<400x128xf32>,
    return
  }
  func.func @transform_0(%arg0: i32) -> (i32, i32) {
    %c0_i32 = arith.constant 0 : i32
    %c0_i32_0 = arith.constant 0 : i32
    return %arg0, %c0_i32 : i32, i32
  }
  func.func @transform_1(%arg0: i32) -> (i32, i32) {
    %c0_i32 = arith.constant 0 : i32
    %c0_i32_0 = arith.constant 0 : i32
    %c0_i32_1 = arith.constant 0 : i32
    return %c0_i32, %c0_i32_0 : i32, i32
  }
  func.func @transform_2(%arg0: i32) -> (i32, i32) {
    %c0_i32 = arith.constant 0 : i32
    %c0_i32_0 = arith.constant 0 : i32
    return %arg0, %c0_i32 : i32, i32
  }
  func.func @transform_3(%arg0: i32) -> (i32, i32) {
    %c0_i32 = arith.constant 0 : i32
    %c0_i32_0 = arith.constant 0 : i32
    return %arg0, %c0_i32 : i32, i32
  }
  func.func @transform_4(%arg0: i32) -> (i32, i32) {
    %c0_i32 = arith.constant 0 : i32
    %c0_i32_0 = arith.constant 0 : i32
    return %arg0, %c0_i32 : i32, i32
  }
}

module attributes {stable_mosaic.version = 14 : i64} {
  func.func @body(%arg0: i32, %arg1: memref<400x128xf32, #tpu.memory_space<vmem>>, %arg2: memref<400x128xf32, #tpu.memory_space<vmem>>, %arg3: memref<400x128xf32, #tpu.memory_space<vmem>>, %arg4: memref<400x128xf32, #tpu.memory_space<vmem>>, %arg5: memref<1x128xf32, #tpu.memory_space<vmem>>, %arg6: memref<128x128xf32, #tpu.memory_space<vmem>>, %arg7: memref<400x128xf32, #tpu.memory_space<vmem>>) attributes {dimension_semantics = [#tpu.dimension_semantics<arbitrary>], iteration_bounds = array<i64: 25>, scalar_prefetch = 0 : i64, scratch_operands = 0 : i64, tpu.core_type = #tpu.core_type<tc>, window_params = [{transform_indices = @transform_0, window_bounds = array<i64: 400, 128>}, {transform_indices = @transform_1, window_bounds = array<i64: 400, 128>}, {transform_indices = @transform_2, window_bounds = array<i64: 400, 128>}, {transform_indices = @transform_3, window_bounds = array<i64: 400, 128>}, {pipeline_mode = #tpu.pipeline_mode<synchronous>, transform_indices = @transform_4, window_bounds = array<i64: 1, 128>}, {pipeline_mode = #tpu.pipeline_mode<synchronous>, transform_indices = @transform_5, window_bounds = array<i64: 128, 128>}, {transform_indices = @transform_6, window_bounds = array<i64: 400, 128>}]} {
    %get3A = arith.constant 0 : index
    %get3A_0 = arith.constant 0 : index
    %get3A_1 = vector.load %arg4[%get3A, %get3A_0] : memref<400x128xf32, #tpu.memory_space<vmem>>, vector<400x128xf32>
    %get3A_2 = arith.constant 0 : index
    %get3A_3 = arith.constant 0 : index
    %get3A_4 = vector.load %arg1[%get3A_2, %get3A_3] : memref<400x128xf32, #tpu.memory_space<vmem>>, vector<400x128xf32>
    %get3A_5 = arith.constant 0 : index
    %get3A_6 = arith.constant 0 : index
    %get3A_7 = vector.load %arg2[%get3A_5, %get3A_6] : memref<400x128xf32, #tpu.memory_space<vmem>>, vector<400x128xf32>
    %add3A = arith.addf %get3A_4, %get3A_7 : vector<400x128xf32>
    %get3A_8 = arith.constant 0 : index
    %get3A_9 = arith.constant 0 : index
    %get3A_10 = vector.load %arg3[%get3A_8, %get3A_9] : memref<400x128xf32, #tpu.memory_space<vmem>>, vector<400x128xf32>
    %add3A_11 = arith.addf %add3A, %get3A_10 : vector<400x128xf32>
    %mul3A = arith.mulf %get3A_1, %add3A_11 : vector<400x128xf32>
    %get3A_12 = arith.constant 0 : index
    %get3A_13 = arith.constant 0 : index
    %get3A_14 = vector.load %arg5[%get3A_12, %get3A_13] : memref<1x128xf32, #tpu.memory_space<vmem>>, vector<1x128xf32>
    %add3A_15 = vector.broadcast %get3A_14 : vector<1x128xf32> to vector<400x128xf32>
    %add3A_16 = arith.addf %mul3A, %add3A_15 : vector<400x128xf32>
    %max3A = arith.constant 0.000000e+00 : f32
    %max3A_17 = vector.broadcast %max3A : f32 to vector<400x128xf32>
    %max3A_18 = arith.maximumf %add3A_16, %max3A_17 : vector<400x128xf32>
    %get3A_19 = arith.constant 0 : index
    %get3A_20 = arith.constant 0 : index
    %get3A_21 = vector.load %arg6[%get3A_19, %get3A_20] : memref<128x128xf32, #tpu.memory_space<vmem>>, vector<128x128xf32>
    %dot_general3A = arith.constant dense<0.000000e+00> : vector<400x128xf32>
    %dot_general3A_22 = tpu.matmul %max3A_18, %get3A_21, %dot_general3A {dimension_numbers = #tpu.dot_dimension_numbers<[1], [0], [0], [1], [0, 0, 1, 1], [], []>, transpose_lhs_hint = false} : vector<400x128xf32>, vector<128x128xf32>, vector<400x128xf32> -> vector<400x128xf32>
    %get3A_23 = arith.constant 0 : index
    %get3A_24 = arith.constant 0 : index
    %get3A_25 = vector.load %arg4[%get3A_23, %get3A_24] : memref<400x128xf32, #tpu.memory_space<vmem>>, vector<400x128xf32>
    %mul3A_26 = arith.mulf %dot_general3A_22, %get3A_25 : vector<400x128xf32>
    %swap3A = arith.constant 0 : index
    %swap3A_27 = arith.constant 0 : index
    %swap3A_28 = vector.load %arg7[%swap3A, %swap3A_27] : memref<400x128xf32, #tpu.memory_space<vmem>>, vector<400x128xf32>
    tpu.vector_store %arg7[%swap3A, %swap3A_27], %mul3A_26 {strides = array<i32>} : memref<400x128xf32, #tpu.memory_space<vmem>>, vector<400x128xf32>,
    return
  }
  func.func @transform_0(%arg0: i32) -> (i32, i32) {
    %c0_i32 = arith.constant 0 : i32
    %c0_i32_0 = arith.constant 0 : i32
    return %arg0, %c0_i32 : i32, i32
  }
  func.func @transform_1(%arg0: i32) -> (i32, i32) {
    %c0_i32 = arith.constant 0 : i32
    %c0_i32_0 = arith.constant 0 : i32
    return %arg0, %c0_i32 : i32, i32
  }
  func.func @transform_2(%arg0: i32) -> (i32, i32) {
    %c0_i32 = arith.constant 0 : i32
    %c0_i32_0 = arith.constant 0 : i32
    return %arg0, %c0_i32 : i32, i32
  }
  func.func @transform_3(%arg0: i32) -> (i32, i32) {
    %c0_i32 = arith.constant 0 : i32
    %c0_i32_0 = arith.constant 0 : i32
    return %arg0, %c0_i32 : i32, i32
  }
  func.func @transform_4(%arg0: i32) -> (i32, i32) {
    %c0_i32 = arith.constant 0 : i32
    %c0_i32_0 = arith.constant 0 : i32
    %c0_i32_1 = arith.constant 0 : i32
    return %c0_i32, %c0_i32_0 : i32, i32
  }
  func.func @transform_5(%arg0: i32) -> (i32, i32) {
    %c0_i32 = arith.constant 0 : i32
    %c0_i32_0 = arith.constant 0 : i32
    %c0_i32_1 = arith.constant 0 : i32
    return %c0_i32, %c0_i32_0 : i32, i32
  }
  func.func @transform_6(%arg0: i32) -> (i32, i32) {
    %c0_i32 = arith.constant 0 : i32
    %c0_i32_0 = arith.constant 0 : i32
    return %arg0, %c0_i32 : i32, i32
  }
}

module attributes {stable_mosaic.version = 14 : i64} {
  func.func @body(%arg0: i32, %arg1: memref<400x128xf32, #tpu.memory_space<vmem>>, %arg2: memref<400x128xf32, #tpu.memory_space<vmem>>, %arg3: memref<400x128xf32, #tpu.memory_space<vmem>>, %arg4: memref<400x128xf32, #tpu.memory_space<vmem>>, %arg5: memref<1x128xf32, #tpu.memory_space<vmem>>, %arg6: memref<400x128xf32, #tpu.memory_space<vmem>>) attributes {dimension_semantics = [#tpu.dimension_semantics<arbitrary>], iteration_bounds = array<i64: 25>, scalar_prefetch = 0 : i64, scratch_operands = 0 : i64, tpu.core_type = #tpu.core_type<tc>, window_params = [{transform_indices = @transform_0, window_bounds = array<i64: 400, 128>}, {transform_indices = @transform_1, window_bounds = array<i64: 400, 128>}, {transform_indices = @transform_2, window_bounds = array<i64: 400, 128>}, {transform_indices = @transform_3, window_bounds = array<i64: 400, 128>}, {pipeline_mode = #tpu.pipeline_mode<synchronous>, transform_indices = @transform_4, window_bounds = array<i64: 1, 128>}, {transform_indices = @transform_5, window_bounds = array<i64: 400, 128>}]} {
    %get3A = arith.constant 0 : index
    %get3A_0 = arith.constant 0 : index
    %get3A_1 = vector.load %arg4[%get3A, %get3A_0] : memref<400x128xf32, #tpu.memory_space<vmem>>, vector<400x128xf32>
    %get3A_2 = arith.constant 0 : index
    %get3A_3 = arith.constant 0 : index
    %get3A_4 = vector.load %arg1[%get3A_2, %get3A_3] : memref<400x128xf32, #tpu.memory_space<vmem>>, vector<400x128xf32>
    %get3A_5 = arith.constant 0 : index
    %get3A_6 = arith.constant 0 : index
    %get3A_7 = vector.load %arg2[%get3A_5, %get3A_6] : memref<400x128xf32, #tpu.memory_space<vmem>>, vector<400x128xf32>
    %add3A = arith.addf %get3A_4, %get3A_7 : vector<400x128xf32>
    %get3A_8 = arith.constant 0 : index
    %get3A_9 = arith.constant 0 : index
    %get3A_10 = vector.load %arg3[%get3A_8, %get3A_9] : memref<400x128xf32, #tpu.memory_space<vmem>>, vector<400x128xf32>
    %add3A_11 = arith.addf %add3A, %get3A_10 : vector<400x128xf32>
    %mul3A = arith.mulf %get3A_1, %add3A_11 : vector<400x128xf32>
    %get3A_12 = arith.constant 0 : index
    %get3A_13 = arith.constant 0 : index
    %get3A_14 = vector.load %arg5[%get3A_12, %get3A_13] : memref<1x128xf32, #tpu.memory_space<vmem>>, vector<1x128xf32>
    %add3A_15 = vector.broadcast %get3A_14 : vector<1x128xf32> to vector<400x128xf32>
    %add3A_16 = arith.addf %mul3A, %add3A_15 : vector<400x128xf32>
    %reduce_max3A = arith.constant dense<0xFF800000> : vector<400xf32>
    %reduce_max3A_17 = vector.multi_reduction <maximumf>, %add3A_16, %reduce_max3A [1] : vector<400x128xf32> to vector<400xf32>
    %broadcast_in_dim3A = vector.shape_cast %reduce_max3A_17 : vector<400xf32> to vector<400x1xf32>
    %sub3A = vector.broadcast %broadcast_in_dim3A : vector<400x1xf32> to vector<400x128xf32>
    %sub3A_18 = arith.subf %add3A_16, %sub3A : vector<400x128xf32>
    %exp3A = math.exp %sub3A_18 : vector<400x128xf32>
    %reduce_sum3A = arith.constant dense<0.000000e+00> : vector<400xf32>
    %reduce_sum3A_19 = vector.multi_reduction <add>, %exp3A, %reduce_sum3A [1] : vector<400x128xf32> to vector<400xf32>
    %broadcast_in_dim3A_20 = vector.shape_cast %reduce_sum3A_19 : vector<400xf32> to vector<400x1xf32>
    %sub3A_21 = vector.broadcast %broadcast_in_dim3A : vector<400x1xf32> to vector<400x128xf32>
    %sub3A_22 = arith.subf %add3A_16, %sub3A_21 : vector<400x128xf32>
    %log3A = math.log %broadcast_in_dim3A_20 : vector<400x1xf32>
    %sub3A_23 = vector.broadcast %log3A : vector<400x1xf32> to vector<400x128xf32>
    %sub3A_24 = arith.subf %sub3A_22, %sub3A_23 : vector<400x128xf32>
    %swap3A = arith.constant 0 : index
    %swap3A_25 = arith.constant 0 : index
    %swap3A_26 = vector.load %arg6[%swap3A, %swap3A_25] : memref<400x128xf32, #tpu.memory_space<vmem>>, vector<400x128xf32>
    tpu.vector_store %arg6[%swap3A, %swap3A_25], %sub3A_24 {strides = array<i32>} : memref<400x128xf32, #tpu.memory_space<vmem>>, vector<400x128xf32>,
    return
  }
  func.func @transform_0(%arg0: i32) -> (i32, i32) {
    %c0_i32 = arith.constant 0 : i32
    %c0_i32_0 = arith.constant 0 : i32
    return %arg0, %c0_i32 : i32, i32
  }
  func.func @transform_1(%arg0: i32) -> (i32, i32) {
    %c0_i32 = arith.constant 0 : i32
    %c0_i32_0 = arith.constant 0 : i32
    return %arg0, %c0_i32 : i32, i32
  }
  func.func @transform_2(%arg0: i32) -> (i32, i32) {
    %c0_i32 = arith.constant 0 : i32
    %c0_i32_0 = arith.constant 0 : i32
    return %arg0, %c0_i32 : i32, i32
  }
  func.func @transform_3(%arg0: i32) -> (i32, i32) {
    %c0_i32 = arith.constant 0 : i32
    %c0_i32_0 = arith.constant 0 : i32
    return %arg0, %c0_i32 : i32, i32
  }
  func.func @transform_4(%arg0: i32) -> (i32, i32) {
    %c0_i32 = arith.constant 0 : i32
    %c0_i32_0 = arith.constant 0 : i32
    %c0_i32_1 = arith.constant 0 : i32
    return %c0_i32, %c0_i32_0 : i32, i32
  }
  func.func @transform_5(%arg0: i32) -> (i32, i32) {
    %c0_i32 = arith.constant 0 : i32
    %c0_i32_0 = arith.constant 0 : i32
    return %arg0, %c0_i32 : i32, i32
  }
}

</mosaic_0001>

<sc_bundles>
// kernel: kernel.11.cloned.1.call-start
scs
__scs_entry_jumppad:
0x0: {  	(pc) =	sbr.rel $0x88, $3  }
0x1: {  	(tag) =	ssettag $0x0;
	lr =	simm.s32 $0x1  }
0x2: {  	[smem:$0x3F9B] =	sst lr;
	_ =	strace $0xD0000000  }
0x3: {  	_ = 	snop  }
0x4: {  	_ = 	snop  }
0x5: {  	_ = 	snop  }
0x6: {  	_ = 	snop  }
0x7: {  	_ = 	snop  }
__scs_overlays_trampoline_lowered:
0x8: {  	[smem:$0x3FAA] =	sst s0  }
0x9: {  	[smem:$0x3FAB] =	sst s1  }
0xa: {  	[smem:$0x3FAC] =	sst s2  }
0xb: {  	[smem:$0x3FAD] =	sst s3  }
0xc: {  	[smem:$0x3FAE] =	sst s4  }
0xd: {  	[smem:$0x3FAF] =	sst s5  }
0xe: {  	[smem:$0x3FB0] =	sst s6  }
0xf: {  	[smem:$0x3FB1] =	sst s7  }
0x10: {  	[smem:$0x3FB2] =	sst s8  }
0x11: {  	[smem:$0x3FB3] =	sst s9;
	s0 =	simm.s32 @!p0 $0x0  }
0x12: {  	s1 =	sld [smem:$0x3F99];
	s0 =	simm.s32 @p0 $0x1  }
0x13: {  	[smem:$0x3FB4] =	sst s0;
	s0 =	simm.s32 @!p1 $0x0  }
0x14: {  	s2 =	sld [smem:$0x3F98];
	s0 =	simm.s32 @p1 $0x1  }
0x15: {  	[smem:$0x3FB5] =	sst s0;
	s0 =	simm.s32 @!p2 $0x0  }
0x16: {  	s3 =	sld [smem:$0x3FDB];
	s0 =	simm.s32 @p2 $0x1  }
0x17: {  	s4 =	simm.s32 $0x1BF5;
	[smem:$0x3FB7] =	sst s0  }
0x18: {  	s0 =	sld [smem:$0x3F9A];
	_ =	swait.ge [sflag:s4], $0x0  }
0x19: {  	s7 =	sld [smem:$0x3F9B]  }
0x1a: {  	s8 =	sadd.s32 $0xFFFFE003, lr  }
0x1b: {  	s9 =	sadd.s32 $0xFFFFFEF7, lr;
	s5 =	simm.s32 $0xFFFFFFFF;
	p2 =	slt.u32 s8, $0xFFFFF086  }
0x1c: {  	p1 =	slt.u32 s9, $0xF7A;
	s5 =	simm.s32 @!p2 $0x0  }
0x1d: {  	s5 =	simm.s32 @p1 $0x1;
	p0 =	seq.s32 s7, s2  }
0x1e: {  	s7 =	smul.u32 @!p0 $0xF7A, s2;
	p2 =	seq.s32 @!p0 s5, $0x0  }
0x1f: {  	s9 =	smul.u32 $0xF7A, s1;
	s8 =	simm.s32 @!p0 $0x1BF5;
	p2 =	por !p2, p0  }
0x20: {  	[sflag:s8] =	ssyncset.s32 @!p0 $0xFFFFF086;
	s6 =	sadd.s32 @!p0 s3, s7;
	s7 =	simm.s32 @!p0 $0x108  }
0x21: {  	s3 =	sadd.s32 s3, s9;
	s6 =	sadd.s32 @!p0 $0x88, s6;
	s7 =	simm.s32 @p2 $0x1082  }
0x22: {  	[simem:s7], [sflag:s8] =	dma.local @!p0 [hbm:s6], $0xF7A  }
0x23: {  	s9 =	sor.u32 $0xD0000000, s2;
	s6 =	simm.s32 $0x108;
	_ =	swait.ge @!p0 [sflag:s8], $0x0  }
0x24: {  	s3 =	sadd.s32 $0x88, s3;
	s6 =	simm.s32 @!p1 $0x1082;
	[sflag:s4] =	ssyncset.s32 $0xFFFFF086  }
0x25: {  	[simem:s6], [sflag:s4] =	dma.local [hbm:s3], $0xF7A  }
0x26: {  	[smem:$0x3F9B] =	sst s1;
	(tag) =	ssettag s2;
	_ =	strace s9  }
0x27: {  	s1 =	sld [smem:$0x3FAB]  }
0x28: {  	s2 =	sld [smem:$0x3FAC]  }
0x29: {  	s4 =	sld [smem:$0x3FAE]  }
0x2a: {  	p0 =	seq.s32 s5, $0x0;
	s5 =	sld [smem:$0x3FAF]  }
0x2b: {  	s6 =	sld [smem:$0x3FB0]  }
0x2c: {  	s7 =	sld [smem:$0x3FB1]  }
0x2d: {  	s3 =	simm.s32 $0x108;
	s8 =	sld [smem:$0x3FB2]  }
0x2e: {  	s3 =	simm.s32 @!p0 $0x1082;
	s9 =	sld [smem:$0x3FB3]  }
0x2f: {  	lr =	sadd.s32 s0, s3;
	s0 =	sld [smem:$0x3FAA]  }
0x30: {  	s3 =	sld [smem:$0x3FAD]  }
0x31: {  	[smem:$0x3FB6] =	sst s10  }
0x32: {  	s10 =	sld [smem:$0x3FB4];
	_ =	sdelay $0x3  }
0x33: {  	p0 =	seq.s32 s10, $0x1;
	s10 =	sld [smem:$0x3FB6];
	_ =	sdelay $0x3  }
0x34: {  	[smem:$0x3FB6] =	sst s10  }
0x35: {  	s10 =	sld [smem:$0x3FB5];
	_ =	sdelay $0x3  }
0x36: {  	p1 =	seq.s32 s10, $0x1;
	s10 =	sld [smem:$0x3FB6];
	_ =	sdelay $0x3  }
0x37: {  	[smem:$0x3FB6] =	sst s10  }
0x38: {  	s10 =	sld [smem:$0x3FB7]  }
0x39: {  	_ = 	snop;
	(pc) =	sbr.ind lr, $3  }
0x3a: {  	_ = 	snop  }
0x3b: {  	_ = 	snop  }
0x3c: {  	p2 =	seq.s32 s10, $0x1;
	s10 =	sld [smem:$0x3FB6]  }
0x3d: {  	_ =	shalt  }
0x3e: {  	_ =	shalt  }
0x3f: {  	_ =	shalt  }
0x40: {  	_ =	shalt  }
0x41: {  	_ =	shalt  }
0x42: {  	_ =	shalt  }
0x43: {  	_ =	shalt  }
0x44: {  	_ =	shalt  }
0x45: {  	_ =	shalt  }
0x46: {  	_ =	shalt  }
0x47: {  	_ =	shalt  }
0x48: {  	_ =	shalt  }
0x49: {  	_ =	shalt  }
0x4a: {  	_ =	shalt  }
0x4b: {  	_ =	shalt  }
0x4c: {  	_ =	shalt  }
0x4d: {  	_ =	shalt  }
0x4e: {  	_ =	shalt  }
0x4f: {  	_ =	shalt  }
0x50: {  	_ =	shalt  }
0x51: {  	_ =	shalt  }
0x52: {  	_ =	shalt  }
0x53: {  	_ =	shalt  }
0x54: {  	_ =	shalt  }
0x55: {  	_ =	shalt  }
0x56: {  	_ =	shalt  }
0x57: {  	_ =	shalt  }
0x58: {  	_ =	shalt  }
0x59: {  	_ =	shalt  }
0x5a: {  	_ =	shalt  }
0x5b: {  	_ =	shalt  }
0x5c: {  	_ =	shalt  }
0x5d: {  	_ =	shalt  }
0x5e: {  	_ =	shalt  }
0x5f: {  	_ =	shalt  }
0x60: {  	_ =	shalt  }
0x61: {  	_ =	shalt  }
0x62: {  	_ =	shalt  }
0x63: {  	_ =	shalt  }
0x64: {  	_ =	shalt  }
0x65: {  	_ =	shalt  }
0x66: {  	_ =	shalt  }
0x67: {  	_ =	shalt  }
0x68: {  	_ =	shalt  }
0x69: {  	_ =	shalt  }
0x6a: {  	_ =	shalt  }
0x6b: {  	_ =	shalt  }
0x6c: {  	_ =	shalt  }
0x6d: {  	_ =	shalt  }
0x6e: {  	_ =	shalt  }
0x6f: {  	_ =	shalt  }
0x70: {  	_ =	shalt  }
0x71: {  	_ =	shalt  }
0x72: {  	_ =	shalt  }
0x73: {  	_ =	shalt  }
0x74: {  	_ =	shalt  }
0x75: {  	_ =	shalt  }
0x76: {  	_ =	shalt  }
0x77: {  	_ =	shalt  }
0x78: {  	_ =	shalt  }
0x79: {  	_ =	shalt  }
0x7a: {  	_ =	shalt  }
0x7b: {  	_ =	shalt  }
0x7c: {  	_ =	shalt  }
0x7d: {  	_ =	shalt  }
0x7e: {  	_ =	shalt  }
0x7f: {  	_ =	shalt  }
0x80: {  	_ =	shalt  }
0x81: {  	_ =	shalt  }
0x82: {  	_ =	shalt  }
0x83: {  	_ =	shalt  }
0x84: {  	_ =	shalt  }
0x85: {  	_ =	shalt  }
0x86: {  	_ =	shalt  }
0x87: {  	_ =	shalt  }
.Lfunc_end0:
.L_simem_size_0:
called_computation.1_lowered:
.L_overlay_start_0:
0x88: {  	s2 =	sld [smem:$0x3FD9]  }
0x89: {  	s3 =	sld [smem:$0x3FFE];
	_ =	sdelay $0x1  }
0x8a: {  	s1 =	srdreg.scid  }
0x8b: {  	s0 =	sand.u32 $0x1, s1  }
0x8c: {  	s17 =	sshll.u32 s0, $0xA;
	s2 =	sadd.s32 s3, s2  }
0x8d: {  	s2 =	sadd.s32 s2, s17  }
0x8e: {  	[smem:$0x3FC2] =	sst s2  }
0x8f: {  	_ = 	snop  }
0x90: {  	s2 =	sld [smem:$0x3FD0];
	(tm) =	ssettm $0x1  }
0x91: {  	s18 =	sld [smem:$0x3FFB];
	_ =	sdelay $0x3  }
0x92: {  	_ =	strace s18  }
0x93: {  	s3 =	sld [smem:$0x3FFC];
	_ =	sdelay $0x3  }
0x94: {  	_ =	strace s3  }
0x95: {  	s3 =	sld [smem:$0x3FFD];
	_ =	sdelay $0x3  }
0x96: {  	_ =	strace s3  }
0x97: {  	_ =	strace $0x8FFFFFFF  }
0x98: {  	s19 =	sld [smem:$0x3FDB];
	_ =	sdelay $0x1  }
0x99: {  	s4 =	simm.s32 $_scs_section_size  }
0x9a: {  	s5 =	simm.s32 $_size__tile_overlayer_lowered;
	s6 =	simm.s32 $_tile_overlayer_lowered  }
0x9b: {  	s22 =	simm.s32 $0x1BFF;
	s21 =	sshll.u32 s6, $0x1;
	s3 =	sadd.s32 s4, s19  }
0x9c: {  	s7 =	simm.s32 $0x0;
	s20 =	sshll.u32 s5, $0x1;
	s5 =	sadd.s32 s21, s3  }
0x9d: {  	[timem:s7], [sflag:s22] =	dma.local [hbm:s5], s20  }
0x9e: {  	_ =	swait.ge [sflag:s22], s20  }
0x9f: {  	s4 =	ssub.s32 $0x0, s20;
	[sflag:s22] =	ssyncset.done $0x0  }
0xa0: {  	[sflag:s22] =	ssyncadd.s32 s4;
	_ =	sdelay $0x1  }
0xa1: {  	s23 =	simm.s32 $0x1B8B  }
0xa2: {  	_ =	swait.ge [sflag:s23], $0x1  }
0xa3: {  	[sflag:s23] =	ssyncset.done $0x0  }
0xa4: {  	s25 =	simm.s32 $0x1B8E;
	s24 =	sld [smem:$0x3FFE];
	[sflag:s23] =	ssyncadd.s32 $0xFFFFFFFF  }
0xa5: {  	s26 =	simm.s32 $execute0_lowered;
	[smem:$0x3FD2] =	sst s25  }
0xa6: {  	s5 =	sshll.u32 s26, $0x1;
	_ =	strace $0x80000049;
	[dreg:$0x1] =	wrdreg $0xFFFFFFFF  }
0xa7: {  	s28 =	simm.s32 $_size_execute0_lowered;
	s3 =	sadd.s32 s3, s5;
	[dreg:$0x0] =	wrdreg $0x0  }
0xa8: {  	s5 =	sshll.u32 s28, $0x1;
	[dreg:$0x2] =	wrdreg s3  }
0xa9: {  	[dreg:$0x3] =	wrdreg s5  }
0xaa: {  	[dreg:$0x4] =	wrdreg $0xC0  }
0xab: {  	_ =	task [dreg:s7], $0x5FFFF  }
0xac: {  	[dreg:$0x1] =	wrdreg $0xFFFFFFFF  }
0xad: {  	[dreg:$0x0] =	wrdreg $0x60  }
0xae: {  	[dreg:$0x2] =	wrdreg s2  }
0xaf: {  	[dreg:$0x3] =	wrdreg s24  }
0xb0: {  	[dreg:$0x4] =	wrdreg $0xA8000  }
0xb1: {  	[dreg:$0x5] =	wrdreg $0x9  }
0xb2: {  	_ =	task.clear_ibuf [dreg:s7], $0x6FFFF;
	_ =	strace $0x90000049  }
0xb3: {  	s29 =	simm.s32 $0x9;
	_ =	strace $0x8000004B  }
0xb4: {  	_ =	swait.ge [sflag:s29], $0x1  }
0xb5: {  	[sflag:s29] =	ssyncadd.s32 $0xFFFFFFFF  }
0xb6: {  	_ =	strace $0x9000004B  }
0xb7: {  	_ =	sfence  }
0xb8: {  	s30 =	sld [smem:$0x0];
	_ =	sdelay $0x2  }
0xb9: {  	s31 =	sshll.u32 s1, $0xD;
	s1 =	sshrl.u32 s1, $0x2  }
0xba: {  	s3 =	sand.u32 $0x4000, s31;
	s1 =	sadd.s32 s1, s30  }
0xbb: {  	s0 =	sor.u32 s3, s0;
	s1 =	sshll.u32 s1, $0x11  }
0xbc: {  	s0 =	sor.u32 s1, s0  }
0xbd: {  	s0 =	sadd.s32 $0x8F2B, s0  }
0xbe: {  	[sflag:s0] =	ssyncadd.remote.s32 $0x1  }
0xbf: {  	_ =	sfence.sel $0xFFFF  }
0xc0: {  	[dreg:$0x0] =	wrdreg $0xFFFFFFFF;
	(pc) =	sbr.abs _section_cstart, $3  }
0xc1: {  	[dreg:$0x1] =	wrdreg $0xFFFFFFFF  }
0xc2: {  	_ =	task.clear_ibuf [dreg:s7], $0x2FFFF;
	_ =	strace $0x9FFFFFFF  }
0xc3: {  	(tm) =	ssettm $0x7FFFFFFF  }
tec
execute0_lowered:
.L_overlay_start_1:
0x0: {  	(tag) =	ssettag $0x1  }
0x1: {  	s1 =	rddreg [dreg:$0x0]  }
0x2: {  	s6 =	rddreg [dreg:$0x1]  }
0x3: {  	s2 =	rddreg [dreg:$0x2]  }
0x4: {  	s3 =	srdreg.scid;
	s0 =	rddreg [dreg:$0x3]  }
0x5: {  	s4 =	simm.s32 $0x0;
	s14 =	simm.s32 $0x50;
	s15 =	simm.s32 $0x8000  }
0x6: {  	s16 =	simm.s32 $0x0;
	s5 =	sand.u32 $0x1, s3;
	s3 =	stileid.u32  }
0x7: {  	[smem:$0x7FF] =	sst s4;
	s7 =	smul.u32 $0x140000, s5;
	s8 =	sshll.u32 s3, $0xC  }
0x8: {  	s9 =	sshll.u32 s5, $0xB;
	s10 =	smul.u32 $0x14000, s3;
	_ =	strace $0x8000004A  }
0x9: {  	s26 =	ssub.s32 $0x2, s5;
	s28 =	smul.u32 $0x50000, s3;
	s5 =	sadd.s32 $0x2800, s6  }
0xa: {  	s31 =	sshll.u32 s3, $0x6;
	s8 =	sor.u32 s9, s8;
	s29 =	sshrl.u32 s26, $0x1  }
0xb: {  	s8 =	sadd.s32 s8, s6;
	s7 =	sadd.s32 s10, s7;
	s30 =	sshrl.u32 s28, $0x2  }
0xc: {  	s12 =	ssub.s32 s26, s29;
	s7 =	sshrl.u32 s7, $0x3;
	s13 =	sadd.s32 s30, s2  }
0xd: {  	s10 =	smax.u32 s12, $0x1;
	s12 =	simm.s32 $0x1;
	s11 =	sadd.s32 s7, s6  }
0xe: {  	s6 =	sor.u32 $0x1C01, s31;
	s7 =	sadd.s32 $0x62000, s8;
	s8 =	sadd.s32 $0x52000, s8  }
0xf: {  	s9 =	sadd.s32 $0x72000, s11;
	s11 =	sshrl.u32 s13, $0x3;
	s13 =	simm.s32 $0x4000  }
.LBB2_1:
0x10: {  	[spmem:s11], [sflag:s6] =	dma.local [hbm:s5], $0x2800  }
0x11: {  	_ =	swait.ge [sflag:s12], $0x2800  }
0x12: {  	[sflag:s12] =	ssyncset.done $0x0  }
0x13: {  	[sflag:s12] =	ssyncadd.s32 $0xFFFFD800  }
0x14: {  	[tilespmem:s4], [sflag:$0x1] =	stream.linear.gather [hbm4b:s7+s4], $0x3E80, $0x38;
	[tilespmem:$0x1E800] =	vst v63  }
0x15: {  	_ =	swait.ge [sflag:s12], $0x3E80  }
0x16: {  	[sflag:s12] =	ssyncset.done $0x0  }
0x17: {  	[sflag:s12] =	ssyncadd.s32 $0xFFFFC180  }
0x18: {  	[tilespmem:s13], [sflag:$0x1] =	stream.linear.gather [hbm4b:s8+s4], $0x3E80, $0x38;
	[tilespmem:$0x1E800] =	vst v63  }
0x19: {  	_ =	swait.ge [sflag:s12], $0x3E80  }
0x1a: {  	[sflag:s12] =	ssyncset.done $0x0  }
0x1b: {  	[sflag:s12] =	ssyncadd.s32 $0xFFFFC180  }
0x1c: {  	s17 =	simm.s32 $0x0;
	[bflag:$0x0] =	sbarrier.arrive $0xFFFF  }
0x1d: {  	[tilespmem:s15], [sflag:$0x1] =	stream.indirect.gather [hbm4b:s1+s14], $0x80, s17, s14, $0xb8;
	[tilespmem:$0x1E800] =	vst v63  }
0x1e: {  	_ =	swait.ge [sflag:s12], $0x2800  }
0x1f: {  	[sflag:s12] =	ssyncset.done $0x0  }
0x20: {  	s31 =	simm.s32 $0x4000;
	[sflag:s12] =	ssyncadd.s32 $0xFFFFD800  }
0x21: {  	[spmem:s2] =	stream.indirect.scatter.add.f32 [tilespmem:s15], [sflag:$0x1], $0x80, s31, s14, $0xb8;
	[tilespmem:$0x1E800] =	vst v63  }
0x22: {  	_ =	swait.ge [sflag:s12], $0x2800  }
0x23: {  	s18 =	simm.s32 $0x400;
	s17 =	simm.s32 $0x200;
	[sflag:s12] =	ssyncset.done $0x0  }
.LBB2_2:
0x24: {  	s19 =	sshra.s32 s17, $0x2  }
0x25: {  	[sflag:s12] =	ssyncadd.s32 $0xFFFFD800;
	s17 =	smov.u32 s18;
	s20 =	sadd.s32 $0x200, s18  }
0x26: {  	[tilespmem:s15], [sflag:$0x1] =	stream.indirect.gather [hbm4b:s1+s14], $0x80, s19, s14, $0xb8;
	[tilespmem:$0x1E800] =	vst v63  }
0x27: {  	p0 =	sne.s32 s18, $0xF800;
	_ =	swait.ge [sflag:s12], $0x2800  }
.Ltmp0:
0x28: {  	[sflag:s12] =	ssyncset.done $0x0;
	(pc) =	sbr.rel @p0 .LBB2_2-.Ltmp0, $4  }
0x29: {  	s18 =	sadd.s32 $0x4000, s19;
	[sflag:s12] =	ssyncadd.s32 $0xFFFFD800  }
0x2a: {  	[spmem:s2] =	stream.indirect.scatter.add.f32 [tilespmem:s15], [sflag:$0x1], $0x80, s18, s14, $0xb8;
	[tilespmem:$0x1E800] =	vst v63  }
0x2b: {  	_ =	swait.ge [sflag:s12], $0x2800  }
0x2c: {  	s18 =	smov.u32 s20;
	[sflag:s12] =	ssyncset.done $0x0  }
0x2d: {  	s17 =	sshra.s32 s17, $0x2;
	[sflag:s12] =	ssyncadd.s32 $0xFFFFD800  }
0x2e: {  	[tilespmem:s15], [sflag:$0x1] =	stream.indirect.gather [hbm4b:s1+s14], $0x80, s17, s14, $0xb8;
	[tilespmem:$0x1E800] =	vst v63  }
0x2f: {  	_ =	swait.ge [sflag:s12], $0x2800  }
0x30: {  	[sflag:s12] =	ssyncset.done $0x0  }
0x31: {  	s17 =	sadd.s32 $0x4000, s17;
	[sflag:s12] =	ssyncadd.s32 $0xFFFFD800  }
0x32: {  	[spmem:s2] =	stream.indirect.scatter.add.f32 [tilespmem:s15], [sflag:$0x1], $0x80, s17, s14, $0xb8;
	[tilespmem:$0x1E800] =	vst v63  }
0x33: {  	_ =	swait.ge [sflag:s12], $0x2800  }
0x34: {  	s16 =	sadd.s32 $0x1, s16;
	[sflag:s12] =	ssyncset.done $0x0  }
0x35: {  	p0 =	sne.s32 s16, s10;
	[sflag:s12] =	ssyncadd.s32 $0xFFFFD800  }
.Ltmp1:
0x36: {  	[bflag:$0x0] =	sbarrier.arrive $0xFFFF;
	(pc) =	sbr.rel @p0 .LBB2_1-.Ltmp1, $4  }
0x37: {  	[hbm:s9], [sflag:s6] =	dma.local [spmem:s11], $0x2800  }
0x38: {  	_ =	swait.ge [sflag:s12], $0x2800  }
0x39: {  	[sflag:s12] =	ssyncset.done $0x0  }
0x3a: {  	[sflag:s12] =	ssyncadd.s32 $0xFFFFD800  }
0x3b: {  	_ =	sfence.sel $0x180000  }
0x3c: {  	[bflag:$0x0] =	sbarrier.arrive $0xFFFF  }
0x3d: {  	p0 =	sne.s32 s3, $0x0;
	_ =	strace $0x9000004A  }
0x3e: {  	s0 =	sadd.s32 @!p0 $0x100000, s0;
	[bflag:$0x2] =	sbarrier.arrive $0xFFFF  }
0x3f: {  	[sflag:s0] =	ssyncadd.tile.s32 @!p0 $0x1;
	_ =	shalt  }
.Lfunc_end2:
_tile_overlayer_lowered:
.L_overlay_start_2:
0x40: {  	(tag) =	ssettag $0x2  }
0x41: {  	s0 =	rddreg [dreg:$0x0];
	s2 =	stileid.u32  }
0x42: {  	s1 =	rddreg [dreg:$0x1];
	p0 =	sne.s32 s2, $0x0  }
0x43: {  	s3 =	rddreg [dreg:$0x2];
	[bflag:$0x3] =	sbarrier.arrive $0xFFFF;
	s2 =	simm.s32 @!p0 $0x1C01  }
0x44: {  	[timem:s3], [sflag:s2] =	dma.local @!p0 [hbm:s0], s1  }
0x45: {  	s0 =	simm.s32 @!p0 $0x1  }
0x46: {  	_ =	swait.ge @!p0 [sflag:s0], s1  }
0x47: {  	s1 =	ssub.s32 @!p0 $0x0, s1;
	[sflag:s0] =	ssyncset.done @!p0 $0x0  }
0x48: {  	[sflag:s0] =	ssyncadd.s32 @!p0 s1  }
0x49: {  	[bflag:$0x3] =	sbarrier.arrive $0xFFFF  }
0x4a: {  	_ =	shalt  }

// kernel: kernel.14.cloned.1.call-start
scs
__scs_entry_jumppad:
0x0: {  	(pc) =	sbr.rel $0x88, $3  }
0x1: {  	(tag) =	ssettag $0x0;
	lr =	simm.s32 $0x1  }
0x2: {  	[smem:$0x3F9B] =	sst lr;
	_ =	strace $0xD0000000  }
0x3: {  	_ = 	snop  }
0x4: {  	_ = 	snop  }
0x5: {  	_ = 	snop  }
0x6: {  	_ = 	snop  }
0x7: {  	_ = 	snop  }
__scs_overlays_trampoline_lowered:
0x8: {  	[smem:$0x3FAA] =	sst s0  }
0x9: {  	[smem:$0x3FAB] =	sst s1  }
0xa: {  	[smem:$0x3FAC] =	sst s2  }
0xb: {  	[smem:$0x3FAD] =	sst s3  }
0xc: {  	[smem:$0x3FAE] =	sst s4  }
0xd: {  	[smem:$0x3FAF] =	sst s5  }
0xe: {  	[smem:$0x3FB0] =	sst s6  }
0xf: {  	[smem:$0x3FB1] =	sst s7  }
0x10: {  	[smem:$0x3FB2] =	sst s8  }
0x11: {  	[smem:$0x3FB3] =	sst s9;
	s0 =	simm.s32 @!p0 $0x0  }
0x12: {  	s1 =	sld [smem:$0x3F99];
	s0 =	simm.s32 @p0 $0x1  }
0x13: {  	[smem:$0x3FB4] =	sst s0;
	s0 =	simm.s32 @!p1 $0x0  }
0x14: {  	s2 =	sld [smem:$0x3F98];
	s0 =	simm.s32 @p1 $0x1  }
0x15: {  	[smem:$0x3FB5] =	sst s0;
	s0 =	simm.s32 @!p2 $0x0  }
0x16: {  	s3 =	sld [smem:$0x3FDB];
	s0 =	simm.s32 @p2 $0x1  }
0x17: {  	s4 =	simm.s32 $0x1BF5;
	[smem:$0x3FB7] =	sst s0  }
0x18: {  	s0 =	sld [smem:$0x3F9A];
	_ =	swait.ge [sflag:s4], $0x0  }
0x19: {  	s7 =	sld [smem:$0x3F9B]  }
0x1a: {  	s8 =	sadd.s32 $0xFFFFE003, lr  }
0x1b: {  	s9 =	sadd.s32 $0xFFFFFEF7, lr;
	s5 =	simm.s32 $0xFFFFFFFF;
	p2 =	slt.u32 s8, $0xFFFFF086  }
0x1c: {  	p1 =	slt.u32 s9, $0xF7A;
	s5 =	simm.s32 @!p2 $0x0  }
0x1d: {  	s5 =	simm.s32 @p1 $0x1;
	p0 =	seq.s32 s7, s2  }
0x1e: {  	s7 =	smul.u32 @!p0 $0xF7A, s2;
	p2 =	seq.s32 @!p0 s5, $0x0  }
0x1f: {  	s9 =	smul.u32 $0xF7A, s1;
	s8 =	simm.s32 @!p0 $0x1BF5;
	p2 =	por !p2, p0  }
0x20: {  	[sflag:s8] =	ssyncset.s32 @!p0 $0xFFFFF086;
	s6 =	sadd.s32 @!p0 s3, s7;
	s7 =	simm.s32 @!p0 $0x108  }
0x21: {  	s3 =	sadd.s32 s3, s9;
	s6 =	sadd.s32 @!p0 $0x88, s6;
	s7 =	simm.s32 @p2 $0x1082  }
0x22: {  	[simem:s7], [sflag:s8] =	dma.local @!p0 [hbm:s6], $0xF7A  }
0x23: {  	s9 =	sor.u32 $0xD0000000, s2;
	s6 =	simm.s32 $0x108;
	_ =	swait.ge @!p0 [sflag:s8], $0x0  }
0x24: {  	s3 =	sadd.s32 $0x88, s3;
	s6 =	simm.s32 @!p1 $0x1082;
	[sflag:s4] =	ssyncset.s32 $0xFFFFF086  }
0x25: {  	[simem:s6], [sflag:s4] =	dma.local [hbm:s3], $0xF7A  }
0x26: {  	[smem:$0x3F9B] =	sst s1;
	(tag) =	ssettag s2;
	_ =	strace s9  }
0x27: {  	s1 =	sld [smem:$0x3FAB]  }
0x28: {  	s2 =	sld [smem:$0x3FAC]  }
0x29: {  	s4 =	sld [smem:$0x3FAE]  }
0x2a: {  	p0 =	seq.s32 s5, $0x0;
	s5 =	sld [smem:$0x3FAF]  }
0x2b: {  	s6 =	sld [smem:$0x3FB0]  }
0x2c: {  	s7 =	sld [smem:$0x3FB1]  }
0x2d: {  	s3 =	simm.s32 $0x108;
	s8 =	sld [smem:$0x3FB2]  }
0x2e: {  	s3 =	simm.s32 @!p0 $0x1082;
	s9 =	sld [smem:$0x3FB3]  }
0x2f: {  	lr =	sadd.s32 s0, s3;
	s0 =	sld [smem:$0x3FAA]  }
0x30: {  	s3 =	sld [smem:$0x3FAD]  }
0x31: {  	[smem:$0x3FB6] =	sst s10  }
0x32: {  	s10 =	sld [smem:$0x3FB4];
	_ =	sdelay $0x3  }
0x33: {  	p0 =	seq.s32 s10, $0x1;
	s10 =	sld [smem:$0x3FB6];
	_ =	sdelay $0x3  }
0x34: {  	[smem:$0x3FB6] =	sst s10  }
0x35: {  	s10 =	sld [smem:$0x3FB5];
	_ =	sdelay $0x3  }
0x36: {  	p1 =	seq.s32 s10, $0x1;
	s10 =	sld [smem:$0x3FB6];
	_ =	sdelay $0x3  }
0x37: {  	[smem:$0x3FB6] =	sst s10  }
0x38: {  	s10 =	sld [smem:$0x3FB7]  }
0x39: {  	_ = 	snop;
	(pc) =	sbr.ind lr, $3  }
0x3a: {  	_ = 	snop  }
0x3b: {  	_ = 	snop  }
0x3c: {  	p2 =	seq.s32 s10, $0x1;
	s10 =	sld [smem:$0x3FB6]  }
0x3d: {  	_ =	shalt  }
0x3e: {  	_ =	shalt  }
0x3f: {  	_ =	shalt  }
0x40: {  	_ =	shalt  }
0x41: {  	_ =	shalt  }
0x42: {  	_ =	shalt  }
0x43: {  	_ =	shalt  }
0x44: {  	_ =	shalt  }
0x45: {  	_ =	shalt  }
0x46: {  	_ =	shalt  }
0x47: {  	_ =	shalt  }
0x48: {  	_ =	shalt  }
0x49: {  	_ =	shalt  }
0x4a: {  	_ =	shalt  }
0x4b: {  	_ =	shalt  }
0x4c: {  	_ =	shalt  }
0x4d: {  	_ =	shalt  }
0x4e: {  	_ =	shalt  }
0x4f: {  	_ =	shalt  }
0x50: {  	_ =	shalt  }
0x51: {  	_ =	shalt  }
0x52: {  	_ =	shalt  }
0x53: {  	_ =	shalt  }
0x54: {  	_ =	shalt  }
0x55: {  	_ =	shalt  }
0x56: {  	_ =	shalt  }
0x57: {  	_ =	shalt  }
0x58: {  	_ =	shalt  }
0x59: {  	_ =	shalt  }
0x5a: {  	_ =	shalt  }
0x5b: {  	_ =	shalt  }
0x5c: {  	_ =	shalt  }
0x5d: {  	_ =	shalt  }
0x5e: {  	_ =	shalt  }
0x5f: {  	_ =	shalt  }
0x60: {  	_ =	shalt  }
0x61: {  	_ =	shalt  }
0x62: {  	_ =	shalt  }
0x63: {  	_ =	shalt  }
0x64: {  	_ =	shalt  }
0x65: {  	_ =	shalt  }
0x66: {  	_ =	shalt  }
0x67: {  	_ =	shalt  }
0x68: {  	_ =	shalt  }
0x69: {  	_ =	shalt  }
0x6a: {  	_ =	shalt  }
0x6b: {  	_ =	shalt  }
0x6c: {  	_ =	shalt  }
0x6d: {  	_ =	shalt  }
0x6e: {  	_ =	shalt  }
0x6f: {  	_ =	shalt  }
0x70: {  	_ =	shalt  }
0x71: {  	_ =	shalt  }
0x72: {  	_ =	shalt  }
0x73: {  	_ =	shalt  }
0x74: {  	_ =	shalt  }
0x75: {  	_ =	shalt  }
0x76: {  	_ =	shalt  }
0x77: {  	_ =	shalt  }
0x78: {  	_ =	shalt  }
0x79: {  	_ =	shalt  }
0x7a: {  	_ =	shalt  }
0x7b: {  	_ =	shalt  }
0x7c: {  	_ =	shalt  }
0x7d: {  	_ =	shalt  }
0x7e: {  	_ =	shalt  }
0x7f: {  	_ =	shalt  }
0x80: {  	_ =	shalt  }
0x81: {  	_ =	shalt  }
0x82: {  	_ =	shalt  }
0x83: {  	_ =	shalt  }
0x84: {  	_ =	shalt  }
0x85: {  	_ =	shalt  }
0x86: {  	_ =	shalt  }
0x87: {  	_ =	shalt  }
.Lfunc_end0:
.L_simem_size_0:
called_computation.2_lowered:
.L_overlay_start_0:
0x88: {  	s2 =	sld [smem:$0x3FD9]  }
0x89: {  	s3 =	sld [smem:$0x3FFE];
	_ =	sdelay $0x1  }
0x8a: {  	s1 =	srdreg.scid  }
0x8b: {  	s0 =	sand.u32 $0x1, s1  }
0x8c: {  	s17 =	sshll.u32 s0, $0xA;
	s2 =	sadd.s32 s3, s2  }
0x8d: {  	s2 =	sadd.s32 s2, s17  }
0x8e: {  	[smem:$0x3FC2] =	sst s2  }
0x8f: {  	_ = 	snop  }
0x90: {  	s2 =	sld [smem:$0x3FD0];
	(tm) =	ssettm $0x1  }
0x91: {  	s18 =	sld [smem:$0x3FFB];
	_ =	sdelay $0x3  }
0x92: {  	_ =	strace s18  }
0x93: {  	s3 =	sld [smem:$0x3FFC];
	_ =	sdelay $0x3  }
0x94: {  	_ =	strace s3  }
0x95: {  	s3 =	sld [smem:$0x3FFD];
	_ =	sdelay $0x3  }
0x96: {  	_ =	strace s3  }
0x97: {  	_ =	strace $0x8FFFFFFF  }
0x98: {  	s19 =	sld [smem:$0x3FDB];
	_ =	sdelay $0x1  }
0x99: {  	s4 =	simm.s32 $_scs_section_size  }
0x9a: {  	s5 =	simm.s32 $_size__tile_overlayer_lowered;
	s6 =	simm.s32 $_tile_overlayer_lowered  }
0x9b: {  	s22 =	simm.s32 $0x1BFF;
	s21 =	sshll.u32 s6, $0x1;
	s3 =	sadd.s32 s4, s19  }
0x9c: {  	s7 =	simm.s32 $0x0;
	s20 =	sshll.u32 s5, $0x1;
	s5 =	sadd.s32 s21, s3  }
0x9d: {  	[timem:s7], [sflag:s22] =	dma.local [hbm:s5], s20  }
0x9e: {  	_ =	swait.ge [sflag:s22], s20  }
0x9f: {  	s4 =	ssub.s32 $0x0, s20;
	[sflag:s22] =	ssyncset.done $0x0  }
0xa0: {  	[sflag:s22] =	ssyncadd.s32 s4;
	_ =	sdelay $0x1  }
0xa1: {  	s23 =	simm.s32 $0x1B8B  }
0xa2: {  	_ =	swait.ge [sflag:s23], $0x1  }
0xa3: {  	[sflag:s23] =	ssyncset.done $0x0  }
0xa4: {  	s25 =	simm.s32 $0x1B8E;
	s24 =	sld [smem:$0x3FFE];
	[sflag:s23] =	ssyncadd.s32 $0xFFFFFFFF  }
0xa5: {  	s26 =	simm.s32 $execute0_lowered;
	[smem:$0x3FD2] =	sst s25  }
0xa6: {  	s5 =	sshll.u32 s26, $0x1;
	_ =	strace $0x8000004C;
	[dreg:$0x1] =	wrdreg $0xFFFFFFFF  }
0xa7: {  	s28 =	simm.s32 $_size_execute0_lowered;
	s3 =	sadd.s32 s3, s5;
	[dreg:$0x0] =	wrdreg $0x0  }
0xa8: {  	s5 =	sshll.u32 s28, $0x1;
	[dreg:$0x2] =	wrdreg s3  }
0xa9: {  	[dreg:$0x3] =	wrdreg s5  }
0xaa: {  	[dreg:$0x4] =	wrdreg $0xC0  }
0xab: {  	_ =	task [dreg:s7], $0x5FFFF  }
0xac: {  	[dreg:$0x1] =	wrdreg $0xFFFFFFFF  }
0xad: {  	[dreg:$0x0] =	wrdreg $0x60  }
0xae: {  	[dreg:$0x2] =	wrdreg s2  }
0xaf: {  	[dreg:$0x3] =	wrdreg s24  }
0xb0: {  	[dreg:$0x4] =	wrdreg $0xA8000  }
0xb1: {  	[dreg:$0x5] =	wrdreg $0x9  }
0xb2: {  	_ =	task.clear_ibuf [dreg:s7], $0x6FFFF;
	_ =	strace $0x9000004C  }
0xb3: {  	s29 =	simm.s32 $0x9;
	_ =	strace $0x8000004E  }
0xb4: {  	_ =	swait.ge [sflag:s29], $0x1  }
0xb5: {  	[sflag:s29] =	ssyncadd.s32 $0xFFFFFFFF  }
0xb6: {  	_ =	strace $0x9000004E  }
0xb7: {  	_ =	sfence  }
0xb8: {  	s30 =	sld [smem:$0x0];
	_ =	sdelay $0x2  }
0xb9: {  	s31 =	sshll.u32 s1, $0xD;
	s1 =	sshrl.u32 s1, $0x2  }
0xba: {  	s3 =	sand.u32 $0x4000, s31;
	s1 =	sadd.s32 s1, s30  }
0xbb: {  	s0 =	sor.u32 s3, s0;
	s1 =	sshll.u32 s1, $0x11  }
0xbc: {  	s0 =	sor.u32 s1, s0  }
0xbd: {  	s0 =	sadd.s32 $0x8F2B, s0  }
0xbe: {  	[sflag:s0] =	ssyncadd.remote.s32 $0x1  }
0xbf: {  	_ =	sfence.sel $0xFFFF  }
0xc0: {  	[dreg:$0x0] =	wrdreg $0xFFFFFFFF;
	(pc) =	sbr.abs _section_cstart, $3  }
0xc1: {  	[dreg:$0x1] =	wrdreg $0xFFFFFFFF  }
0xc2: {  	_ =	task.clear_ibuf [dreg:s7], $0x2FFFF;
	_ =	strace $0x9FFFFFFF  }
0xc3: {  	(tm) =	ssettm $0x7FFFFFFF  }
tec
execute0_lowered:
.L_overlay_start_1:
0x0: {  	(tag) =	ssettag $0x1  }
0x1: {  	s1 =	rddreg [dreg:$0x0]  }
0x2: {  	s6 =	rddreg [dreg:$0x1]  }
0x3: {  	s2 =	rddreg [dreg:$0x2]  }
0x4: {  	s3 =	srdreg.scid;
	s0 =	rddreg [dreg:$0x3]  }
0x5: {  	s4 =	simm.s32 $0x0;
	s14 =	simm.s32 $0x50;
	s15 =	simm.s32 $0x8000  }
0x6: {  	s16 =	simm.s32 $0x0;
	s5 =	sand.u32 $0x1, s3;
	s3 =	stileid.u32  }
0x7: {  	[smem:$0x7FF] =	sst s4;
	s7 =	smul.u32 $0x140000, s5;
	s8 =	sshll.u32 s3, $0xC  }
0x8: {  	s9 =	sshll.u32 s5, $0xB;
	s10 =	smul.u32 $0x14000, s3;
	_ =	strace $0x8000004D  }
0x9: {  	s26 =	ssub.s32 $0x2, s5;
	s28 =	smul.u32 $0x50000, s3;
	s5 =	sadd.s32 $0x2800, s6  }
0xa: {  	s31 =	sshll.u32 s3, $0x6;
	s8 =	sor.u32 s9, s8;
	s29 =	sshrl.u32 s26, $0x1  }
0xb: {  	s8 =	sadd.s32 s8, s6;
	s7 =	sadd.s32 s10, s7;
	s30 =	sshrl.u32 s28, $0x2  }
0xc: {  	s12 =	ssub.s32 s26, s29;
	s7 =	sshrl.u32 s7, $0x3;
	s13 =	sadd.s32 s30, s2  }
0xd: {  	s10 =	smax.u32 s12, $0x1;
	s12 =	simm.s32 $0x1;
	s11 =	sadd.s32 s7, s6  }
0xe: {  	s6 =	sor.u32 $0x1C01, s31;
	s7 =	sadd.s32 $0x62000, s8;
	s8 =	sadd.s32 $0x52000, s8  }
0xf: {  	s9 =	sadd.s32 $0x72000, s11;
	s11 =	sshrl.u32 s13, $0x3;
	s13 =	simm.s32 $0x4000  }
.LBB2_1:
0x10: {  	[spmem:s11], [sflag:s6] =	dma.local [hbm:s5], $0x2800  }
0x11: {  	_ =	swait.ge [sflag:s12], $0x2800  }
0x12: {  	[sflag:s12] =	ssyncset.done $0x0  }
0x13: {  	[sflag:s12] =	ssyncadd.s32 $0xFFFFD800  }
0x14: {  	[tilespmem:s4], [sflag:$0x1] =	stream.linear.gather [hbm4b:s7+s4], $0x3E80, $0x38;
	[tilespmem:$0x1E800] =	vst v63  }
0x15: {  	_ =	swait.ge [sflag:s12], $0x3E80  }
0x16: {  	[sflag:s12] =	ssyncset.done $0x0  }
0x17: {  	[sflag:s12] =	ssyncadd.s32 $0xFFFFC180  }
0x18: {  	[tilespmem:s13], [sflag:$0x1] =	stream.linear.gather [hbm4b:s8+s4], $0x3E80, $0x38;
	[tilespmem:$0x1E800] =	vst v63  }
0x19: {  	_ =	swait.ge [sflag:s12], $0x3E80  }
0x1a: {  	[sflag:s12] =	ssyncset.done $0x0  }
0x1b: {  	[sflag:s12] =	ssyncadd.s32 $0xFFFFC180  }
0x1c: {  	s17 =	simm.s32 $0x0;
	[bflag:$0x0] =	sbarrier.arrive $0xFFFF  }
0x1d: {  	[tilespmem:s15], [sflag:$0x1] =	stream.indirect.gather [hbm4b:s1+s14], $0x80, s17, s14, $0xb8;
	[tilespmem:$0x1E800] =	vst v63  }
0x1e: {  	_ =	swait.ge [sflag:s12], $0x2800  }
0x1f: {  	[sflag:s12] =	ssyncset.done $0x0  }
0x20: {  	s31 =	simm.s32 $0x4000;
	[sflag:s12] =	ssyncadd.s32 $0xFFFFD800  }
0x21: {  	[spmem:s2] =	stream.indirect.scatter.add.f32 [tilespmem:s15], [sflag:$0x1], $0x80, s31, s14, $0xb8;
	[tilespmem:$0x1E800] =	vst v63  }
0x22: {  	_ =	swait.ge [sflag:s12], $0x2800  }
0x23: {  	s18 =	simm.s32 $0x400;
	s17 =	simm.s32 $0x200;
	[sflag:s12] =	ssyncset.done $0x0  }
.LBB2_2:
0x24: {  	s19 =	sshra.s32 s17, $0x2  }
0x25: {  	[sflag:s12] =	ssyncadd.s32 $0xFFFFD800;
	s17 =	smov.u32 s18;
	s20 =	sadd.s32 $0x200, s18  }
0x26: {  	[tilespmem:s15], [sflag:$0x1] =	stream.indirect.gather [hbm4b:s1+s14], $0x80, s19, s14, $0xb8;
	[tilespmem:$0x1E800] =	vst v63  }
0x27: {  	p0 =	sne.s32 s18, $0xF800;
	_ =	swait.ge [sflag:s12], $0x2800  }
.Ltmp0:
0x28: {  	[sflag:s12] =	ssyncset.done $0x0;
	(pc) =	sbr.rel @p0 .LBB2_2-.Ltmp0, $4  }
0x29: {  	s18 =	sadd.s32 $0x4000, s19;
	[sflag:s12] =	ssyncadd.s32 $0xFFFFD800  }
0x2a: {  	[spmem:s2] =	stream.indirect.scatter.add.f32 [tilespmem:s15], [sflag:$0x1], $0x80, s18, s14, $0xb8;
	[tilespmem:$0x1E800] =	vst v63  }
0x2b: {  	_ =	swait.ge [sflag:s12], $0x2800  }
0x2c: {  	s18 =	smov.u32 s20;
	[sflag:s12] =	ssyncset.done $0x0  }
0x2d: {  	s17 =	sshra.s32 s17, $0x2;
	[sflag:s12] =	ssyncadd.s32 $0xFFFFD800  }
0x2e: {  	[tilespmem:s15], [sflag:$0x1] =	stream.indirect.gather [hbm4b:s1+s14], $0x80, s17, s14, $0xb8;
	[tilespmem:$0x1E800] =	vst v63  }
0x2f: {  	_ =	swait.ge [sflag:s12], $0x2800  }
0x30: {  	[sflag:s12] =	ssyncset.done $0x0  }
0x31: {  	s17 =	sadd.s32 $0x4000, s17;
	[sflag:s12] =	ssyncadd.s32 $0xFFFFD800  }
0x32: {  	[spmem:s2] =	stream.indirect.scatter.add.f32 [tilespmem:s15], [sflag:$0x1], $0x80, s17, s14, $0xb8;
	[tilespmem:$0x1E800] =	vst v63  }
0x33: {  	_ =	swait.ge [sflag:s12], $0x2800  }
0x34: {  	s16 =	sadd.s32 $0x1, s16;
	[sflag:s12] =	ssyncset.done $0x0  }
0x35: {  	p0 =	sne.s32 s16, s10;
	[sflag:s12] =	ssyncadd.s32 $0xFFFFD800  }
.Ltmp1:
0x36: {  	[bflag:$0x0] =	sbarrier.arrive $0xFFFF;
	(pc) =	sbr.rel @p0 .LBB2_1-.Ltmp1, $4  }
0x37: {  	[hbm:s9], [sflag:s6] =	dma.local [spmem:s11], $0x2800  }
0x38: {  	_ =	swait.ge [sflag:s12], $0x2800  }
0x39: {  	[sflag:s12] =	ssyncset.done $0x0  }
0x3a: {  	[sflag:s12] =	ssyncadd.s32 $0xFFFFD800  }
0x3b: {  	_ =	sfence.sel $0x180000  }
0x3c: {  	[bflag:$0x0] =	sbarrier.arrive $0xFFFF  }
0x3d: {  	p0 =	sne.s32 s3, $0x0;
	_ =	strace $0x9000004D  }
0x3e: {  	s0 =	sadd.s32 @!p0 $0x100000, s0;
	[bflag:$0x2] =	sbarrier.arrive $0xFFFF  }
0x3f: {  	[sflag:s0] =	ssyncadd.tile.s32 @!p0 $0x1;
	_ =	shalt  }
.Lfunc_end2:
_tile_overlayer_lowered:
.L_overlay_start_2:
0x40: {  	(tag) =	ssettag $0x2  }
0x41: {  	s0 =	rddreg [dreg:$0x0];
	s2 =	stileid.u32  }
0x42: {  	s1 =	rddreg [dreg:$0x1];
	p0 =	sne.s32 s2, $0x0  }
0x43: {  	s3 =	rddreg [dreg:$0x2];
	[bflag:$0x3] =	sbarrier.arrive $0xFFFF;
	s2 =	simm.s32 @!p0 $0x1C01  }
0x44: {  	[timem:s3], [sflag:s2] =	dma.local @!p0 [hbm:s0], s1  }
0x45: {  	s0 =	simm.s32 @!p0 $0x1  }
0x46: {  	_ =	swait.ge @!p0 [sflag:s0], s1  }
0x47: {  	s1 =	ssub.s32 @!p0 $0x0, s1;
	[sflag:s0] =	ssyncset.done @!p0 $0x0  }
0x48: {  	[sflag:s0] =	ssyncadd.s32 @!p0 s1  }
0x49: {  	[bflag:$0x3] =	sbarrier.arrive $0xFFFF  }
0x4a: {  	_ =	shalt  }

// kernel: kernel.8.cloned.1.call-start
scs
__scs_entry_jumppad:
0x0: {  	(pc) =	sbr.rel $0x88, $3  }
0x1: {  	(tag) =	ssettag $0x0;
	lr =	simm.s32 $0x1  }
0x2: {  	[smem:$0x3F9B] =	sst lr;
	_ =	strace $0xD0000000  }
0x3: {  	_ = 	snop  }
0x4: {  	_ = 	snop  }
0x5: {  	_ = 	snop  }
0x6: {  	_ = 	snop  }
0x7: {  	_ = 	snop  }
__scs_overlays_trampoline_lowered:
0x8: {  	[smem:$0x3FAA] =	sst s0  }
0x9: {  	[smem:$0x3FAB] =	sst s1  }
0xa: {  	[smem:$0x3FAC] =	sst s2  }
0xb: {  	[smem:$0x3FAD] =	sst s3  }
0xc: {  	[smem:$0x3FAE] =	sst s4  }
0xd: {  	[smem:$0x3FAF] =	sst s5  }
0xe: {  	[smem:$0x3FB0] =	sst s6  }
0xf: {  	[smem:$0x3FB1] =	sst s7  }
0x10: {  	[smem:$0x3FB2] =	sst s8  }
0x11: {  	[smem:$0x3FB3] =	sst s9;
	s0 =	simm.s32 @!p0 $0x0  }
0x12: {  	s1 =	sld [smem:$0x3F99];
	s0 =	simm.s32 @p0 $0x1  }
0x13: {  	[smem:$0x3FB4] =	sst s0;
	s0 =	simm.s32 @!p1 $0x0  }
0x14: {  	s2 =	sld [smem:$0x3F98];
	s0 =	simm.s32 @p1 $0x1  }
0x15: {  	[smem:$0x3FB5] =	sst s0;
	s0 =	simm.s32 @!p2 $0x0  }
0x16: {  	s3 =	sld [smem:$0x3FDB];
	s0 =	simm.s32 @p2 $0x1  }
0x17: {  	s4 =	simm.s32 $0x1BF5;
	[smem:$0x3FB7] =	sst s0  }
0x18: {  	s0 =	sld [smem:$0x3F9A];
	_ =	swait.ge [sflag:s4], $0x0  }
0x19: {  	s7 =	sld [smem:$0x3F9B]  }
0x1a: {  	s8 =	sadd.s32 $0xFFFFE003, lr  }
0x1b: {  	s9 =	sadd.s32 $0xFFFFFEF7, lr;
	s5 =	simm.s32 $0xFFFFFFFF;
	p2 =	slt.u32 s8, $0xFFFFF086  }
0x1c: {  	p1 =	slt.u32 s9, $0xF7A;
	s5 =	simm.s32 @!p2 $0x0  }
0x1d: {  	s5 =	simm.s32 @p1 $0x1;
	p0 =	seq.s32 s7, s2  }
0x1e: {  	s7 =	smul.u32 @!p0 $0xF7A, s2;
	p2 =	seq.s32 @!p0 s5, $0x0  }
0x1f: {  	s9 =	smul.u32 $0xF7A, s1;
	s8 =	simm.s32 @!p0 $0x1BF5;
	p2 =	por !p2, p0  }
0x20: {  	[sflag:s8] =	ssyncset.s32 @!p0 $0xFFFFF086;
	s6 =	sadd.s32 @!p0 s3, s7;
	s7 =	simm.s32 @!p0 $0x108  }
0x21: {  	s3 =	sadd.s32 s3, s9;
	s6 =	sadd.s32 @!p0 $0x88, s6;
	s7 =	simm.s32 @p2 $0x1082  }
0x22: {  	[simem:s7], [sflag:s8] =	dma.local @!p0 [hbm:s6], $0xF7A  }
0x23: {  	s9 =	sor.u32 $0xD0000000, s2;
	s6 =	simm.s32 $0x108;
	_ =	swait.ge @!p0 [sflag:s8], $0x0  }
0x24: {  	s3 =	sadd.s32 $0x88, s3;
	s6 =	simm.s32 @!p1 $0x1082;
	[sflag:s4] =	ssyncset.s32 $0xFFFFF086  }
0x25: {  	[simem:s6], [sflag:s4] =	dma.local [hbm:s3], $0xF7A  }
0x26: {  	[smem:$0x3F9B] =	sst s1;
	(tag) =	ssettag s2;
	_ =	strace s9  }
0x27: {  	s1 =	sld [smem:$0x3FAB]  }
0x28: {  	s2 =	sld [smem:$0x3FAC]  }
0x29: {  	s4 =	sld [smem:$0x3FAE]  }
0x2a: {  	p0 =	seq.s32 s5, $0x0;
	s5 =	sld [smem:$0x3FAF]  }
0x2b: {  	s6 =	sld [smem:$0x3FB0]  }
0x2c: {  	s7 =	sld [smem:$0x3FB1]  }
0x2d: {  	s3 =	simm.s32 $0x108;
	s8 =	sld [smem:$0x3FB2]  }
0x2e: {  	s3 =	simm.s32 @!p0 $0x1082;
	s9 =	sld [smem:$0x3FB3]  }
0x2f: {  	lr =	sadd.s32 s0, s3;
	s0 =	sld [smem:$0x3FAA]  }
0x30: {  	s3 =	sld [smem:$0x3FAD]  }
0x31: {  	[smem:$0x3FB6] =	sst s10  }
0x32: {  	s10 =	sld [smem:$0x3FB4];
	_ =	sdelay $0x3  }
0x33: {  	p0 =	seq.s32 s10, $0x1;
	s10 =	sld [smem:$0x3FB6];
	_ =	sdelay $0x3  }
0x34: {  	[smem:$0x3FB6] =	sst s10  }
0x35: {  	s10 =	sld [smem:$0x3FB5];
	_ =	sdelay $0x3  }
0x36: {  	p1 =	seq.s32 s10, $0x1;
	s10 =	sld [smem:$0x3FB6];
	_ =	sdelay $0x3  }
0x37: {  	[smem:$0x3FB6] =	sst s10  }
0x38: {  	s10 =	sld [smem:$0x3FB7]  }
0x39: {  	_ = 	snop;
	(pc) =	sbr.ind lr, $3  }
0x3a: {  	_ = 	snop  }
0x3b: {  	_ = 	snop  }
0x3c: {  	p2 =	seq.s32 s10, $0x1;
	s10 =	sld [smem:$0x3FB6]  }
0x3d: {  	_ =	shalt  }
0x3e: {  	_ =	shalt  }
0x3f: {  	_ =	shalt  }
0x40: {  	_ =	shalt  }
0x41: {  	_ =	shalt  }
0x42: {  	_ =	shalt  }
0x43: {  	_ =	shalt  }
0x44: {  	_ =	shalt  }
0x45: {  	_ =	shalt  }
0x46: {  	_ =	shalt  }
0x47: {  	_ =	shalt  }
0x48: {  	_ =	shalt  }
0x49: {  	_ =	shalt  }
0x4a: {  	_ =	shalt  }
0x4b: {  	_ =	shalt  }
0x4c: {  	_ =	shalt  }
0x4d: {  	_ =	shalt  }
0x4e: {  	_ =	shalt  }
0x4f: {  	_ =	shalt  }
0x50: {  	_ =	shalt  }
0x51: {  	_ =	shalt  }
0x52: {  	_ =	shalt  }
0x53: {  	_ =	shalt  }
0x54: {  	_ =	shalt  }
0x55: {  	_ =	shalt  }
0x56: {  	_ =	shalt  }
0x57: {  	_ =	shalt  }
0x58: {  	_ =	shalt  }
0x59: {  	_ =	shalt  }
0x5a: {  	_ =	shalt  }
0x5b: {  	_ =	shalt  }
0x5c: {  	_ =	shalt  }
0x5d: {  	_ =	shalt  }
0x5e: {  	_ =	shalt  }
0x5f: {  	_ =	shalt  }
0x60: {  	_ =	shalt  }
0x61: {  	_ =	shalt  }
0x62: {  	_ =	shalt  }
0x63: {  	_ =	shalt  }
0x64: {  	_ =	shalt  }
0x65: {  	_ =	shalt  }
0x66: {  	_ =	shalt  }
0x67: {  	_ =	shalt  }
0x68: {  	_ =	shalt  }
0x69: {  	_ =	shalt  }
0x6a: {  	_ =	shalt  }
0x6b: {  	_ =	shalt  }
0x6c: {  	_ =	shalt  }
0x6d: {  	_ =	shalt  }
0x6e: {  	_ =	shalt  }
0x6f: {  	_ =	shalt  }
0x70: {  	_ =	shalt  }
0x71: {  	_ =	shalt  }
0x72: {  	_ =	shalt  }
0x73: {  	_ =	shalt  }
0x74: {  	_ =	shalt  }
0x75: {  	_ =	shalt  }
0x76: {  	_ =	shalt  }
0x77: {  	_ =	shalt  }
0x78: {  	_ =	shalt  }
0x79: {  	_ =	shalt  }
0x7a: {  	_ =	shalt  }
0x7b: {  	_ =	shalt  }
0x7c: {  	_ =	shalt  }
0x7d: {  	_ =	shalt  }
0x7e: {  	_ =	shalt  }
0x7f: {  	_ =	shalt  }
0x80: {  	_ =	shalt  }
0x81: {  	_ =	shalt  }
0x82: {  	_ =	shalt  }
0x83: {  	_ =	shalt  }
0x84: {  	_ =	shalt  }
0x85: {  	_ =	shalt  }
0x86: {  	_ =	shalt  }
0x87: {  	_ =	shalt  }
.Lfunc_end0:
.L_simem_size_0:
called_computation_lowered:
.L_overlay_start_0:
0x88: {  	s2 =	sld [smem:$0x3FD9]  }
0x89: {  	s3 =	sld [smem:$0x3FFE];
	_ =	sdelay $0x1  }
0x8a: {  	s1 =	srdreg.scid  }
0x8b: {  	s0 =	sand.u32 $0x1, s1  }
0x8c: {  	s17 =	sshll.u32 s0, $0xA;
	s2 =	sadd.s32 s3, s2  }
0x8d: {  	s2 =	sadd.s32 s2, s17  }
0x8e: {  	[smem:$0x3FC2] =	sst s2  }
0x8f: {  	_ = 	snop  }
0x90: {  	s2 =	sld [smem:$0x3FD0];
	(tm) =	ssettm $0x1  }
0x91: {  	s18 =	sld [smem:$0x3FFB];
	_ =	sdelay $0x3  }
0x92: {  	_ =	strace s18  }
0x93: {  	s3 =	sld [smem:$0x3FFC];
	_ =	sdelay $0x3  }
0x94: {  	_ =	strace s3  }
0x95: {  	s3 =	sld [smem:$0x3FFD];
	_ =	sdelay $0x3  }
0x96: {  	_ =	strace s3  }
0x97: {  	_ =	strace $0x8FFFFFFF  }
0x98: {  	s19 =	sld [smem:$0x3FDB];
	_ =	sdelay $0x1  }
0x99: {  	s4 =	simm.s32 $_scs_section_size  }
0x9a: {  	s5 =	simm.s32 $_size__tile_overlayer_lowered;
	s6 =	simm.s32 $_tile_overlayer_lowered  }
0x9b: {  	s22 =	simm.s32 $0x1BFF;
	s21 =	sshll.u32 s6, $0x1;
	s3 =	sadd.s32 s4, s19  }
0x9c: {  	s7 =	simm.s32 $0x0;
	s20 =	sshll.u32 s5, $0x1;
	s5 =	sadd.s32 s21, s3  }
0x9d: {  	[timem:s7], [sflag:s22] =	dma.local [hbm:s5], s20  }
0x9e: {  	_ =	swait.ge [sflag:s22], s20  }
0x9f: {  	s4 =	ssub.s32 $0x0, s20;
	[sflag:s22] =	ssyncset.done $0x0  }
0xa0: {  	[sflag:s22] =	ssyncadd.s32 s4;
	_ =	sdelay $0x1  }
0xa1: {  	s23 =	simm.s32 $0x1B8B  }
0xa2: {  	_ =	swait.ge [sflag:s23], $0x1  }
0xa3: {  	[sflag:s23] =	ssyncset.done $0x0  }
0xa4: {  	s25 =	simm.s32 $0x1B8E;
	s24 =	sld [smem:$0x3FFE];
	[sflag:s23] =	ssyncadd.s32 $0xFFFFFFFF  }
0xa5: {  	s26 =	simm.s32 $execute0_lowered;
	[smem:$0x3FD2] =	sst s25  }
0xa6: {  	s5 =	sshll.u32 s26, $0x1;
	_ =	strace $0x80000046;
	[dreg:$0x1] =	wrdreg $0xFFFFFFFF  }
0xa7: {  	s28 =	simm.s32 $_size_execute0_lowered;
	s3 =	sadd.s32 s3, s5;
	[dreg:$0x0] =	wrdreg $0x0  }
0xa8: {  	s5 =	sshll.u32 s28, $0x1;
	[dreg:$0x2] =	wrdreg s3  }
0xa9: {  	[dreg:$0x3] =	wrdreg s5  }
0xaa: {  	[dreg:$0x4] =	wrdreg $0xC0  }
0xab: {  	_ =	task [dreg:s7], $0x5FFFF  }
0xac: {  	[dreg:$0x1] =	wrdreg $0xFFFFFFFF  }
0xad: {  	[dreg:$0x0] =	wrdreg $0x60  }
0xae: {  	[dreg:$0x2] =	wrdreg s24  }
0xaf: {  	[dreg:$0x3] =	wrdreg s2  }
0xb0: {  	[dreg:$0x4] =	wrdreg $0x164800  }
0xb1: {  	[dreg:$0x5] =	wrdreg $0x9  }
0xb2: {  	_ =	task.clear_ibuf [dreg:s7], $0x6FFFF;
	_ =	strace $0x90000046  }
0xb3: {  	s29 =	simm.s32 $0x9;
	_ =	strace $0x80000048  }
0xb4: {  	_ =	swait.ge [sflag:s29], $0x1  }
0xb5: {  	[sflag:s29] =	ssyncadd.s32 $0xFFFFFFFF  }
0xb6: {  	_ =	strace $0x90000048  }
0xb7: {  	_ =	sfence  }
0xb8: {  	s30 =	sld [smem:$0x0];
	_ =	sdelay $0x2  }
0xb9: {  	s31 =	sshll.u32 s1, $0xD;
	s1 =	sshrl.u32 s1, $0x2  }
0xba: {  	s3 =	sand.u32 $0x4000, s31;
	s1 =	sadd.s32 s1, s30  }
0xbb: {  	s0 =	sor.u32 s3, s0;
	s1 =	sshll.u32 s1, $0x11  }
0xbc: {  	s0 =	sor.u32 s1, s0  }
0xbd: {  	s0 =	sadd.s32 $0x8F2B, s0  }
0xbe: {  	[sflag:s0] =	ssyncadd.remote.s32 $0x1  }
0xbf: {  	_ =	sfence.sel $0xFFFF  }
0xc0: {  	[dreg:$0x0] =	wrdreg $0xFFFFFFFF;
	(pc) =	sbr.abs _section_cstart, $3  }
0xc1: {  	[dreg:$0x1] =	wrdreg $0xFFFFFFFF  }
0xc2: {  	_ =	task.clear_ibuf [dreg:s7], $0x2FFFF;
	_ =	strace $0x9FFFFFFF  }
0xc3: {  	(tm) =	ssettm $0x7FFFFFFF  }
tec
execute0_lowered:
.L_overlay_start_1:
0x0: {  	(tag) =	ssettag $0x1  }
0x1: {  	s4 =	rddreg [dreg:$0x0]  }
0x2: {  	s6 =	rddreg [dreg:$0x1];
	s0 =	srdreg.scid  }
0x3: {  	s13 =	stileid.u32;
	s1 =	rddreg [dreg:$0x2]  }
0x4: {  	s2 =	simm.s32 $0x0;
	s12 =	simm.s32 $0x50;
	s15 =	simm.s32 $0x0  }
0x5: {  	s3 =	sand.u32 $0x1, s0;
	s5 =	sshll.u32 s13, $0x1;
	s0 =	rddreg [dreg:$0x3]  }
0x6: {  	[smem:$0x7FF] =	sst s2;
	s9 =	sshll.u32 s13, $0xA;
	p0 =	sne.s32 s13, $0x0  }
0x7: {  	p1 =	sgt.u32 s13, $0x9;
	s5 =	sor.u32 s3, s5;
	_ =	strace $0x80000047  }
0x8: {  	s7 =	smul.u32 $0x2800, s3;
	s8 =	ssub.s32 $0x2, s3;
	s3 =	sadd.s32 $0x51A00, s4  }
0x9: {  	s14 =	sadd.s32 s9, s1;
	s11 =	sshrl.u32 @!p0 s1, $0x3;
	s13 =	sshll.u32 @!p1 s13, $0x6  }
0xa: {  	s5 =	smul.u32 $0x2780, s5;
	s10 =	sshrl.u32 s8, $0x1;
	s13 =	sor.u32 @!p1 $0x1C01, s13  }
0xb: {  	s14 =	sshrl.u32 @!p1 s14, $0x3;
	s7 =	sadd.s32 s9, s7;
	s8 =	ssub.s32 s8, s10  }
0xc: {  	s9 =	simm.s32 $0x1;
	s10 =	simm.s32 $0x16400;
	s5 =	sadd.s32 s5, s4  }
0xd: {  	s4 =	sadd.s32 $0x51800, s4;
	s7 =	sshrl.u32 s7, $0x3;
	s5 =	sadd.s32 $0x2800, s5  }
0xe: {  	v0 =	vimm.f32 $1.000000000e+00;
	s6 =	sadd.s32 s6, s7;
	s7 =	smax.u32 s8, $0x1;
	s8 =	simm.s32 $0x13C00  }
.LBB2_1:
0xf: {  	[tilespmem:s8], [sflag:$0x1] =	stream.linear.gather [hbm4b:s3+s2], $0x2800, $0x38;
	[tilespmem:$0x16700] =	vst v63  }
0x10: {  	_ =	swait.ge [sflag:s9], $0x2800  }
0x11: {  	[sflag:s9] =	ssyncset.done $0x0  }
0x12: {  	[sflag:s9] =	ssyncadd.s32 $0xFFFFD800  }
0x13: {  	[tilespmem:s10], [sflag:$0x1] =	stream.linear.gather [hbm4b:s4+s2], $0x80, $0x38;
	[tilespmem:$0x16700] =	vst v63  }
0x14: {  	_ =	swait.ge [sflag:s9], $0x80  }
0x15: {  	[sflag:s9] =	ssyncset.done $0x0  }
0x16: {  	[sflag:s9] =	ssyncadd.s32 $0xFFFFFF80  }
0x17: {  	[tilespmem:s2], [sflag:$0x1] =	stream.linear.gather [hbm4b:s5+s2], $0x13880, $0x38;
	[tilespmem:$0x16700] =	vst v63  }
0x18: {  	_ =	swait.ge [sflag:s9], $0x13880  }
0x19: {  	[sflag:s9] =	ssyncset.done $0x0  }
0x1a: {  	s16 =	simm.s32 @!p0 $0x1C01;
	[sflag:s9] =	ssyncadd.s32 $0xFFFEC780  }
0x1b: {  	[spmem:s11], [sflag:s16] =	dma.local @!p0 [hbm:s3], $0x500  }
0x1c: {  	s16 =	simm.s32 @!p0 $0x1  }
0x1d: {  	_ =	swait.ge @!p0 [sflag:s16], $0x500  }
0x1e: {  	[sflag:s16] =	ssyncset.done @!p0 $0x0  }
0x1f: {  	s17 =	simm.s32 $0x0;
	[sflag:s16] =	ssyncadd.s32 @!p0 $0xFFFFFB00;
	s16 =	simm.s32 $0x200  }
.LBB2_2:
0x20: {  	p2 =	sne.s32 s16, $0x4E000;
	v1 =	vld [tilespmem:s17+$0x0];
	_ =	sdelay $0x3  }
.Ltmp0:
0x21: {  	(pc) =	sbr.rel @p2 .LBB2_2-.Ltmp0, $2  }
0x22: {  	_ =	sdelay $0x2  }
0x23: {  	s17 =	sshra.s32 s16, $0x2;
	s16 =	sadd.s32 $0x200, s16;
	[tilespmem:v1+s8+$0x0] =	vst.idx.add.f32.msk $0xffff, v0  }
0x24: {  	v1 =	vld [tilespmem:s17+$0x0];
	_ =	sdelay $0x7  }
0x25: {  	[tilespmem:v1+s8+$0x0] =	vst.idx.add.f32.msk $0xffff, v0  }
0x26: {  	[bflag:$0x0] =	sbarrier.arrive $0xFFFF  }
0x27: {  	[spmem:s1] =	stream.indirect.scatter.add.f32 [tilespmem:s8], [sflag:$0x1], $0x80, s10, s12, $0xb8;
	[tilespmem:$0x16700] =	vst v63  }
0x28: {  	_ =	swait.ge [sflag:s9], $0x2800  }
0x29: {  	s15 =	sadd.s32 $0x1, s15;
	[sflag:s9] =	ssyncset.done $0x0  }
0x2a: {  	p2 =	sne.s32 s15, s7;
	[sflag:s9] =	ssyncadd.s32 $0xFFFFD800  }
.Ltmp1:
0x2b: {  	s16 =	simm.s32 @!p1 $0x1;
	[bflag:$0x0] =	sbarrier.arrive $0xFFFF;
	(pc) =	sbr.rel @p2 .LBB2_1-.Ltmp1, $4  }
0x2c: {  	[hbm:s6], [sflag:s13] =	dma.local @!p1 [spmem:s14], $0x80  }
0x2d: {  	_ =	swait.ge @!p1 [sflag:s16], $0x80  }
0x2e: {  	[sflag:s16] =	ssyncset.done @!p1 $0x0  }
0x2f: {  	[sflag:s16] =	ssyncadd.s32 @!p1 $0xFFFFFF80  }
0x30: {  	_ =	sfence.sel $0x180000  }
0x31: {  	[bflag:$0x0] =	sbarrier.arrive $0xFFFF  }
0x32: {  	_ =	strace $0x90000047  }
0x33: {  	s0 =	sadd.s32 @!p0 $0x100000, s0;
	[bflag:$0x2] =	sbarrier.arrive $0xFFFF  }
0x34: {  	[sflag:s0] =	ssyncadd.tile.s32 @!p0 $0x1;
	_ =	shalt  }
.Lfunc_end2:
_tile_overlayer_lowered:
.L_overlay_start_2:
0x35: {  	(tag) =	ssettag $0x2  }
0x36: {  	s0 =	rddreg [dreg:$0x0];
	s2 =	stileid.u32  }
0x37: {  	s1 =	rddreg [dreg:$0x1];
	p0 =	sne.s32 s2, $0x0  }
0x38: {  	s3 =	rddreg [dreg:$0x2];
	[bflag:$0x3] =	sbarrier.arrive $0xFFFF;
	s2 =	simm.s32 @!p0 $0x1C01  }
0x39: {  	[timem:s3], [sflag:s2] =	dma.local @!p0 [hbm:s0], s1  }
0x3a: {  	s0 =	simm.s32 @!p0 $0x1  }
0x3b: {  	_ =	swait.ge @!p0 [sflag:s0], s1  }
0x3c: {  	s1 =	ssub.s32 @!p0 $0x0, s1;
	[sflag:s0] =	ssyncset.done @!p0 $0x0  }
0x3d: {  	[sflag:s0] =	ssyncadd.s32 @!p0 s1  }
0x3e: {  	[bflag:$0x3] =	sbarrier.arrive $0xFFFF  }
0x3f: {  	_ =	shalt  }

</sc_bundles>
